<compile_context>
chip_gen: v7x
topology: tpu7x:2x2x1
jax: 0.10.2.dev20260603
libtpu: 0.0.44.dev20260713+nightly
codegen_flags: <defaults>
</compile_context>

<pallas_src>
import functools

import jax
import jax.numpy as jnp
from jax import lax
from jax.experimental import pallas as pl
from jax.experimental.pallas import tpu as pltpu
from jax.experimental.pallas import tpu_sc as plsc

SC_B = 3


def _sc_gather(xf, perm_i32, n_b, S, D):
    info = plsc.get_sparse_core_info()
    NC, NS, L = info.num_cores, info.num_subcores, info.num_lanes
    NW = NC * NS
    seg = S // NW
    rows_per_w = n_b * seg
    CH = 16
    NBUF = 6
    n_cs = seg // CH
    n_ch = rows_per_w // CH

    mesh = plsc.VectorSubcoreMesh(core_axis_name="c", subcore_axis_name="s")

    @functools.partial(
        pl.kernel,
        mesh=mesh,
        out_type=jax.ShapeDtypeStruct((n_b * S, D), jnp.float32),
        scratch_types=[
            pltpu.VMEM((rows_per_w,), jnp.int32),
        ] + [pltpu.VMEM((CH, D), jnp.float32) for _ in range(NBUF)] + [
            pltpu.SemaphoreType.DMA,
            pltpu.SemaphoreType.DMA,
        ],
    )
    def _k(x_hbm, perm_hbm, out_hbm, idx_v, *bufs_and_sems):
        bufs = bufs_and_sems[:NBUF]
        sem_g, sem_s = bufs_and_sems[NBUF:]
        wid = lax.axis_index("s") * NC + lax.axis_index("c")
        seq0 = pl.multiple_of(wid * seg, CH)

        pltpu.sync_copy(perm_hbm.at[pl.ds(seq0, seg)], idx_v.at[pl.ds(0, seg)])
        for b in range(n_b - 1, -1, -1):
            boff = b * S
            for j in range(seg // L):
                sl_src = pl.ds(j * L, L)
                sl_dst = pl.ds(b * seg + j * L, L)
                idx_v[sl_dst] = idx_v[sl_src] + boff

        def out_base(c):
            b = c // n_cs
            return pl.multiple_of(b * S + wid * seg + (c % n_cs) * CH, CH)

        def gather_start(c):
            return pltpu.async_copy(
                x_hbm.at[idx_v.at[pl.ds(c * CH, CH)]], bufs[c % NBUF], sem_g
            )

        def scatter_start(c):
            return pltpu.async_copy(
                bufs[c % NBUF], out_hbm.at[pl.ds(out_base(c), CH)], sem_s
            )

        P = NBUF - 2
        g = [None] * n_ch
        s = [None] * n_ch
        for c in range(min(P, n_ch)):
            g[c] = gather_start(c)
        for c in range(n_ch):
            g[c].wait()
            s[c] = scatter_start(c)
            nxt = c + P
            if nxt < n_ch:
                prev = nxt - NBUF
                if prev >= 0:
                    s[prev].wait()
                g[nxt] = gather_start(nxt)
        for c in range(max(0, n_ch - NBUF), n_ch):
            s[c].wait()

    return _k(xf, perm_i32)


def kernel(x, perm):
    B, S, D = x.shape
    perm_i32 = perm.astype(jnp.int32)
    xf = x.reshape(B * S, D)
    out_sc = _sc_gather(xf, perm_i32, SC_B, S, D).reshape(SC_B, S, D)
    if SC_B < B:
        out_tc = jnp.take(x[SC_B:], perm_i32, axis=1)
        return jnp.concatenate([out_sc, out_tc], axis=0)
    return out_sc

# --- scband reference (transcript-rebuilt; emitter-appended) ---
"""Pipeline reference for scband-invertible-permutation-2241972929108 (READ-ONLY COPY).

The authoritative reference and input builder live on the scoring server;
editing this copy changes nothing except your own understanding.
"""

import jax, jax.numpy as jnp
import numpy as np


def setup_inputs(seed: int = 0) -> dict:
    key = jax.random.key(seed)
    k1, k2 = jax.random.split(key)
    x = jax.random.normal(k1, (4, 4096, 1024), dtype=jnp.float32)
    perm = jax.random.permutation(k2, 4096).astype(jnp.int64)
    return {"x": x, "perm": perm}


def reference(x, perm):
    # torch.index_select(x, axis=1, perm)
    return jnp.take(x, perm, axis=1)

if __name__ == "__main__":
    import jax
    _d = setup_inputs()
    print(jax.jit(kernel)(*tuple(_d.values())))

</pallas_src>

<mosaic_0001>
#map = affine_map<(d0, d1) -> (0, 0)>
#map1 = affine_map<(d0, d1) -> (0)>
module attributes {stable_mosaic.version = 14 : i64} {
  func.func @_k(%arg0: i32, %arg1: i32, %arg2: memref<16384x1024xf32, #tpu.memory_space<hbm>>, %arg3: memref<4096xi32, #tpu.memory_space<hbm>>, %arg4: memref<12288x1024xf32, #tpu.memory_space<hbm>>, %arg5: memref<384xi32, #tpu.memory_space<vmem>>, %arg6: memref<16x1024xf32, #tpu.memory_space<vmem>>, %arg7: memref<16x1024xf32, #tpu.memory_space<vmem>>, %arg8: memref<16x1024xf32, #tpu.memory_space<vmem>>, %arg9: memref<16x1024xf32, #tpu.memory_space<vmem>>, %arg10: memref<16x1024xf32, #tpu.memory_space<vmem>>, %arg11: memref<16x1024xf32, #tpu.memory_space<vmem>>, %arg12: memref<!tpu.dma_semaphore, #tpu.memory_space<semaphore_mem>>, %arg13: memref<!tpu.dma_semaphore, #tpu.memory_space<semaphore_mem>>) attributes {dimension_semantics = [#tpu.dimension_semantics<core_parallel>, #tpu.dimension_semantics<subcore_parallel>], iteration_bounds = array<i64: 2, 16>, scalar_prefetch = 0 : i64, scratch_operands = 9 : i64, tpu.core_type = #tpu.core_type<sc_vector_subcore>, window_params = [{transform_indices = #map}, {transform_indices = #map1}, {transform_indices = #map}]} {
    %mul3A = arith.constant 2 : i32
    %mul3A_0 = arith.muli %arg1, %mul3A : i32
    %add3A = arith.addi %mul3A_0, %arg0 : i32
    %mul3A_1 = arith.constant 128 : i32
    %mul3A_2 = arith.muli %add3A, %mul3A_1 : i32
    %multiple_of3A = tpu.assume_multiple %mul3A_2, 16 : i32
    "tpu.region"() ({
      %run_scoped3A = tpu.sem_alloc : memref<!tpu.dma_semaphore, #tpu.memory_space<semaphore_mem>>
      %dma_start3A_839 = arith.constant 0 : i32
      %dma_start3A_840 = tpu.memref_slice %arg5[%dma_start3A_839] : memref<384xi32, #tpu.memory_space<vmem>> -> memref<128xi32, #tpu.memory_space<vmem>>
      %dma_start3A_841 = tpu.memref_slice %arg3[%multiple_of3A] : memref<4096xi32, #tpu.memory_space<hbm>> -> memref<128xi32, #tpu.memory_space<hbm>>
      %dma_start3A_842 = arith.constant 0 : i32
      %dma_start3A_843 = tpu.memref_slice %arg5[%dma_start3A_842] : memref<384xi32, #tpu.memory_space<vmem>> -> memref<128xi32, #tpu.memory_space<vmem>>
      %dma_start3A_844 = tpu.memref_slice %arg3[%multiple_of3A] : memref<4096xi32, #tpu.memory_space<hbm>> -> memref<128xi32, #tpu.memory_space<hbm>>
      tpu.enqueue_dma source(%dma_start3A_844 : memref<128xi32, #tpu.memory_space<hbm>>) target(%dma_start3A_843 : memref<128xi32, #tpu.memory_space<vmem>>) target_semaphore(%run_scoped3A : memref<!tpu.dma_semaphore, #tpu.memory_space<semaphore_mem>>)
      %dma_wait3A_845 = arith.constant 0 : i32
      %dma_wait3A_846 = tpu.memref_slice %arg5[%dma_wait3A_845] : memref<384xi32, #tpu.memory_space<vmem>> -> memref<128xi32, #tpu.memory_space<vmem>>
      %dma_wait3A_847 = tpu.memref_slice %arg3[%multiple_of3A] : memref<4096xi32, #tpu.memory_space<hbm>> -> memref<128xi32, #tpu.memory_space<hbm>>
      %dma_wait3A_848 = arith.constant 0 : i32
      %dma_wait3A_849 = tpu.memref_slice %arg5[%dma_wait3A_848] : memref<384xi32, #tpu.memory_space<vmem>> -> memref<128xi32, #tpu.memory_space<vmem>>
      %dma_wait3A_850 = tpu.memref_slice %arg3[%multiple_of3A] : memref<4096xi32, #tpu.memory_space<hbm>> -> memref<128xi32, #tpu.memory_space<hbm>>
      tpu.wait_dma2 semaphore(%run_scoped3A : memref<!tpu.dma_semaphore, #tpu.memory_space<semaphore_mem>>) src(%dma_wait3A_850 : memref<128xi32, #tpu.memory_space<hbm>>) dst(%dma_wait3A_849 : memref<128xi32, #tpu.memory_space<vmem>>)
      tpu.yield
    }) : () -> ()
    %get3A = arith.constant 0 : index
    %get3A_3 = tpu.vector_load %arg5[%get3A] {strides = array<i32>} : memref<384xi32, #tpu.memory_space<vmem>>, vector<16xi32>,
    %get3A_4 = vector.shape_cast %get3A_3 : vector<16xi32> to vector<16xi32>
    %add3A_5 = arith.constant 8192 : i32
    %add3A_6 = vector.broadcast %add3A_5 : i32 to vector<16xi32>
    %add3A_7 = arith.addi %get3A_4, %add3A_6 : vector<16xi32>
    %swap3A = arith.constant 256 : index
    %swap3A_8 = tpu.vector_load %arg5[%swap3A] {strides = array<i32>} : memref<384xi32, #tpu.memory_space<vmem>>, vector<16xi32>,
    %swap3A_9 = vector.shape_cast %swap3A_8 : vector<16xi32> to vector<16xi32>
    %swap3A_10 = vector.shape_cast %add3A_7 : vector<16xi32> to vector<16xi32>
    tpu.vector_store %arg5[%swap3A], %swap3A_10 {strides = array<i32>} : memref<384xi32, #tpu.memory_space<vmem>>, vector<16xi32>,
    %get3A_11 = arith.constant 16 : index
    %get3A_12 = tpu.vector_load %arg5[%get3A_11] {strides = array<i32>} : memref<384xi32, #tpu.memory_space<vmem>>, vector<16xi32>,
    %get3A_13 = vector.shape_cast %get3A_12 : vector<16xi32> to vector<16xi32>
    %add3A_14 = arith.constant 8192 : i32
    %add3A_15 = vector.broadcast %add3A_14 : i32 to vector<16xi32>
    %add3A_16 = arith.addi %get3A_13, %add3A_15 : vector<16xi32>
    %swap3A_17 = arith.constant 272 : index
    %swap3A_18 = tpu.vector_load %arg5[%swap3A_17] {strides = array<i32>} : memref<384xi32, #tpu.memory_space<vmem>>, vector<16xi32>,
    %swap3A_19 = vector.shape_cast %swap3A_18 : vector<16xi32> to vector<16xi32>
    %swap3A_20 = vector.shape_cast %add3A_16 : vector<16xi32> to vector<16xi32>
    tpu.vector_store %arg5[%swap3A_17], %swap3A_20 {strides = array<i32>} : memref<384xi32, #tpu.memory_space<vmem>>, vector<16xi32>,
    %get3A_21 = arith.constant 32 : index
    %get3A_22 = tpu.vector_load %arg5[%get3A_21] {strides = array<i32>} : memref<384xi32, #tpu.memory_space<vmem>>, vector<16xi32>,
    %get3A_23 = vector.shape_cast %get3A_22 : vector<16xi32> to vector<16xi32>
    %add3A_24 = arith.constant 8192 : i32
    %add3A_25 = vector.broadcast %add3A_24 : i32 to vector<16xi32>
    %add3A_26 = arith.addi %get3A_23, %add3A_25 : vector<16xi32>
    %swap3A_27 = arith.constant 288 : index
    %swap3A_28 = tpu.vector_load %arg5[%swap3A_27] {strides = array<i32>} : memref<384xi32, #tpu.memory_space<vmem>>, vector<16xi32>,
    %swap3A_29 = vector.shape_cast %swap3A_28 : vector<16xi32> to vector<16xi32>
    %swap3A_30 = vector.shape_cast %add3A_26 : vector<16xi32> to vector<16xi32>
    tpu.vector_store %arg5[%swap3A_27], %swap3A_30 {strides = array<i32>} : memref<384xi32, #tpu.memory_space<vmem>>, vector<16xi32>,
    %get3A_31 = arith.constant 48 : index
    %get3A_32 = tpu.vector_load %arg5[%get3A_31] {strides = array<i32>} : memref<384xi32, #tpu.memory_space<vmem>>, vector<16xi32>,
    %get3A_33 = vector.shape_cast %get3A_32 : vector<16xi32> to vector<16xi32>
    %add3A_34 = arith.constant 8192 : i32
    %add3A_35 = vector.broadcast %add3A_34 : i32 to vector<16xi32>
    %add3A_36 = arith.addi %get3A_33, %add3A_35 : vector<16xi32>
    %swap3A_37 = arith.constant 304 : index
    %swap3A_38 = tpu.vector_load %arg5[%swap3A_37] {strides = array<i32>} : memref<384xi32, #tpu.memory_space<vmem>>, vector<16xi32>,
    %swap3A_39 = vector.shape_cast %swap3A_38 : vector<16xi32> to vector<16xi32>
    %swap3A_40 = vector.shape_cast %add3A_36 : vector<16xi32> to vector<16xi32>
    tpu.vector_store %arg5[%swap3A_37], %swap3A_40 {strides = array<i32>} : memref<384xi32, #tpu.memory_space<vmem>>, vector<16xi32>,
    %get3A_41 = arith.constant 64 : index
    %get3A_42 = tpu.vector_load %arg5[%get3A_41] {strides = array<i32>} : memref<384xi32, #tpu.memory_space<vmem>>, vector<16xi32>,
    %get3A_43 = vector.shape_cast %get3A_42 : vector<16xi32> to vector<16xi32>
    %add3A_44 = arith.constant 8192 : i32
    %add3A_45 = vector.broadcast %add3A_44 : i32 to vector<16xi32>
    %add3A_46 = arith.addi %get3A_43, %add3A_45 : vector<16xi32>
    %swap3A_47 = arith.constant 320 : index
    %swap3A_48 = tpu.vector_load %arg5[%swap3A_47] {strides = array<i32>} : memref<384xi32, #tpu.memory_space<vmem>>, vector<16xi32>,
    %swap3A_49 = vector.shape_cast %swap3A_48 : vector<16xi32> to vector<16xi32>
    %swap3A_50 = vector.shape_cast %add3A_46 : vector<16xi32> to vector<16xi32>
    tpu.vector_store %arg5[%swap3A_47], %swap3A_50 {strides = array<i32>} : memref<384xi32, #tpu.memory_space<vmem>>, vector<16xi32>,
    %get3A_51 = arith.constant 80 : index
    %get3A_52 = tpu.vector_load %arg5[%get3A_51] {strides = array<i32>} : memref<384xi32, #tpu.memory_space<vmem>>, vector<16xi32>,
    %get3A_53 = vector.shape_cast %get3A_52 : vector<16xi32> to vector<16xi32>
    %add3A_54 = arith.constant 8192 : i32
    %add3A_55 = vector.broadcast %add3A_54 : i32 to vector<16xi32>
    %add3A_56 = arith.addi %get3A_53, %add3A_55 : vector<16xi32>
    %swap3A_57 = arith.constant 336 : index
    %swap3A_58 = tpu.vector_load %arg5[%swap3A_57] {strides = array<i32>} : memref<384xi32, #tpu.memory_space<vmem>>, vector<16xi32>,
    %swap3A_59 = vector.shape_cast %swap3A_58 : vector<16xi32> to vector<16xi32>
    %swap3A_60 = vector.shape_cast %add3A_56 : vector<16xi32> to vector<16xi32>
    tpu.vector_store %arg5[%swap3A_57], %swap3A_60 {strides = array<i32>} : memref<384xi32, #tpu.memory_space<vmem>>, vector<16xi32>,
    %get3A_61 = arith.constant 96 : index
    %get3A_62 = tpu.vector_load %arg5[%get3A_61] {strides = array<i32>} : memref<384xi32, #tpu.memory_space<vmem>>, vector<16xi32>,
    %get3A_63 = vector.shape_cast %get3A_62 : vector<16xi32> to vector<16xi32>
    %add3A_64 = arith.constant 8192 : i32
    %add3A_65 = vector.broadcast %add3A_64 : i32 to vector<16xi32>
    %add3A_66 = arith.addi %get3A_63, %add3A_65 : vector<16xi32>
    %swap3A_67 = arith.constant 352 : index
    %swap3A_68 = tpu.vector_load %arg5[%swap3A_67] {strides = array<i32>} : memref<384xi32, #tpu.memory_space<vmem>>, vector<16xi32>,
    %swap3A_69 = vector.shape_cast %swap3A_68 : vector<16xi32> to vector<16xi32>
    %swap3A_70 = vector.shape_cast %add3A_66 : vector<16xi32> to vector<16xi32>
    tpu.vector_store %arg5[%swap3A_67], %swap3A_70 {strides = array<i32>} : memref<384xi32, #tpu.memory_space<vmem>>, vector<16xi32>,
    %get3A_71 = arith.constant 112 : index
    %get3A_72 = tpu.vector_load %arg5[%get3A_71] {strides = array<i32>} : memref<384xi32, #tpu.memory_space<vmem>>, vector<16xi32>,
    %get3A_73 = vector.shape_cast %get3A_72 : vector<16xi32> to vector<16xi32>
    %add3A_74 = arith.constant 8192 : i32
    %add3A_75 = vector.broadcast %add3A_74 : i32 to vector<16xi32>
    %add3A_76 = arith.addi %get3A_73, %add3A_75 : vector<16xi32>
    %swap3A_77 = arith.constant 368 : index
    %swap3A_78 = tpu.vector_load %arg5[%swap3A_77] {strides = array<i32>} : memref<384xi32, #tpu.memory_space<vmem>>, vector<16xi32>,
    %swap3A_79 = vector.shape_cast %swap3A_78 : vector<16xi32> to vector<16xi32>
    %swap3A_80 = vector.shape_cast %add3A_76 : vector<16xi32> to vector<16xi32>
    tpu.vector_store %arg5[%swap3A_77], %swap3A_80 {strides = array<i32>} : memref<384xi32, #tpu.memory_space<vmem>>, vector<16xi32>,
    %get3A_81 = arith.constant 0 : index
    %get3A_82 = tpu.vector_load %arg5[%get3A_81] {strides = array<i32>} : memref<384xi32, #tpu.memory_space<vmem>>, vector<16xi32>,
    %get3A_83 = vector.shape_cast %get3A_82 : vector<16xi32> to vector<16xi32>
    %add3A_84 = arith.constant 4096 : i32
    %add3A_85 = vector.broadcast %add3A_84 : i32 to vector<16xi32>
    %add3A_86 = arith.addi %get3A_83, %add3A_85 : vector<16xi32>
    %swap3A_87 = arith.constant 128 : index
    %swap3A_88 = tpu.vector_load %arg5[%swap3A_87] {strides = array<i32>} : memref<384xi32, #tpu.memory_space<vmem>>, vector<16xi32>,
    %swap3A_89 = vector.shape_cast %swap3A_88 : vector<16xi32> to vector<16xi32>
    %swap3A_90 = vector.shape_cast %add3A_86 : vector<16xi32> to vector<16xi32>
    tpu.vector_store %arg5[%swap3A_87], %swap3A_90 {strides = array<i32>} : memref<384xi32, #tpu.memory_space<vmem>>, vector<16xi32>,
    %get3A_91 = arith.constant 16 : index
    %get3A_92 = tpu.vector_load %arg5[%get3A_91] {strides = array<i32>} : memref<384xi32, #tpu.memory_space<vmem>>, vector<16xi32>,
    %get3A_93 = vector.shape_cast %get3A_92 : vector<16xi32> to vector<16xi32>
    %add3A_94 = arith.constant 4096 : i32
    %add3A_95 = vector.broadcast %add3A_94 : i32 to vector<16xi32>
    %add3A_96 = arith.addi %get3A_93, %add3A_95 : vector<16xi32>
    %swap3A_97 = arith.constant 144 : index
    %swap3A_98 = tpu.vector_load %arg5[%swap3A_97] {strides = array<i32>} : memref<384xi32, #tpu.memory_space<vmem>>, vector<16xi32>,
    %swap3A_99 = vector.shape_cast %swap3A_98 : vector<16xi32> to vector<16xi32>
    %swap3A_100 = vector.shape_cast %add3A_96 : vector<16xi32> to vector<16xi32>
    tpu.vector_store %arg5[%swap3A_97], %swap3A_100 {strides = array<i32>} : memref<384xi32, #tpu.memory_space<vmem>>, vector<16xi32>,
    %get3A_101 = arith.constant 32 : index
    %get3A_102 = tpu.vector_load %arg5[%get3A_101] {strides = array<i32>} : memref<384xi32, #tpu.memory_space<vmem>>, vector<16xi32>,
    %get3A_103 = vector.shape_cast %get3A_102 : vector<16xi32> to vector<16xi32>
    %add3A_104 = arith.constant 4096 : i32
    %add3A_105 = vector.broadcast %add3A_104 : i32 to vector<16xi32>
    %add3A_106 = arith.addi %get3A_103, %add3A_105 : vector<16xi32>
    %swap3A_107 = arith.constant 160 : index
    %swap3A_108 = tpu.vector_load %arg5[%swap3A_107] {strides = array<i32>} : memref<384xi32, #tpu.memory_space<vmem>>, vector<16xi32>,
    %swap3A_109 = vector.shape_cast %swap3A_108 : vector<16xi32> to vector<16xi32>
    %swap3A_110 = vector.shape_cast %add3A_106 : vector<16xi32> to vector<16xi32>
    tpu.vector_store %arg5[%swap3A_107], %swap3A_110 {strides = array<i32>} : memref<384xi32, #tpu.memory_space<vmem>>, vector<16xi32>,
    %get3A_111 = arith.constant 48 : index
    %get3A_112 = tpu.vector_load %arg5[%get3A_111] {strides = array<i32>} : memref<384xi32, #tpu.memory_space<vmem>>, vector<16xi32>,
    %get3A_113 = vector.shape_cast %get3A_112 : vector<16xi32> to vector<16xi32>
    %add3A_114 = arith.constant 4096 : i32
    %add3A_115 = vector.broadcast %add3A_114 : i32 to vector<16xi32>
    %add3A_116 = arith.addi %get3A_113, %add3A_115 : vector<16xi32>
    %swap3A_117 = arith.constant 176 : index
    %swap3A_118 = tpu.vector_load %arg5[%swap3A_117] {strides = array<i32>} : memref<384xi32, #tpu.memory_space<vmem>>, vector<16xi32>,
    %swap3A_119 = vector.shape_cast %swap3A_118 : vector<16xi32> to vector<16xi32>
    %swap3A_120 = vector.shape_cast %add3A_116 : vector<16xi32> to vector<16xi32>
    tpu.vector_store %arg5[%swap3A_117], %swap3A_120 {strides = array<i32>} : memref<384xi32, #tpu.memory_space<vmem>>, vector<16xi32>,
    %get3A_121 = arith.constant 64 : index
    %get3A_122 = tpu.vector_load %arg5[%get3A_121] {strides = array<i32>} : memref<384xi32, #tpu.memory_space<vmem>>, vector<16xi32>,
    %get3A_123 = vector.shape_cast %get3A_122 : vector<16xi32> to vector<16xi32>
    %add3A_124 = arith.constant 4096 : i32
    %add3A_125 = vector.broadcast %add3A_124 : i32 to vector<16xi32>
    %add3A_126 = arith.addi %get3A_123, %add3A_125 : vector<16xi32>
    %swap3A_127 = arith.constant 192 : index
    %swap3A_128 = tpu.vector_load %arg5[%swap3A_127] {strides = array<i32>} : memref<384xi32, #tpu.memory_space<vmem>>, vector<16xi32>,
    %swap3A_129 = vector.shape_cast %swap3A_128 : vector<16xi32> to vector<16xi32>
    %swap3A_130 = vector.shape_cast %add3A_126 : vector<16xi32> to vector<16xi32>
    tpu.vector_store %arg5[%swap3A_127], %swap3A_130 {strides = array<i32>} : memref<384xi32, #tpu.memory_space<vmem>>, vector<16xi32>,
    %get3A_131 = arith.constant 80 : index
    %get3A_132 = tpu.vector_load %arg5[%get3A_131] {strides = array<i32>} : memref<384xi32, #tpu.memory_space<vmem>>, vector<16xi32>,
    %get3A_133 = vector.shape_cast %get3A_132 : vector<16xi32> to vector<16xi32>
    %add3A_134 = arith.constant 4096 : i32
    %add3A_135 = vector.broadcast %add3A_134 : i32 to vector<16xi32>
    %add3A_136 = arith.addi %get3A_133, %add3A_135 : vector<16xi32>
    %swap3A_137 = arith.constant 208 : index
    %swap3A_138 = tpu.vector_load %arg5[%swap3A_137] {strides = array<i32>} : memref<384xi32, #tpu.memory_space<vmem>>, vector<16xi32>,
    %swap3A_139 = vector.shape_cast %swap3A_138 : vector<16xi32> to vector<16xi32>
    %swap3A_140 = vector.shape_cast %add3A_136 : vector<16xi32> to vector<16xi32>
    tpu.vector_store %arg5[%swap3A_137], %swap3A_140 {strides = array<i32>} : memref<384xi32, #tpu.memory_space<vmem>>, vector<16xi32>,
    %get3A_141 = arith.constant 96 : index
    %get3A_142 = tpu.vector_load %arg5[%get3A_141] {strides = array<i32>} : memref<384xi32, #tpu.memory_space<vmem>>, vector<16xi32>,
    %get3A_143 = vector.shape_cast %get3A_142 : vector<16xi32> to vector<16xi32>
    %add3A_144 = arith.constant 4096 : i32
    %add3A_145 = vector.broadcast %add3A_144 : i32 to vector<16xi32>
    %add3A_146 = arith.addi %get3A_143, %add3A_145 : vector<16xi32>
    %swap3A_147 = arith.constant 224 : index
    %swap3A_148 = tpu.vector_load %arg5[%swap3A_147] {strides = array<i32>} : memref<384xi32, #tpu.memory_space<vmem>>, vector<16xi32>,
    %swap3A_149 = vector.shape_cast %swap3A_148 : vector<16xi32> to vector<16xi32>
    %swap3A_150 = vector.shape_cast %add3A_146 : vector<16xi32> to vector<16xi32>
    tpu.vector_store %arg5[%swap3A_147], %swap3A_150 {strides = array<i32>} : memref<384xi32, #tpu.memory_space<vmem>>, vector<16xi32>,
    %get3A_151 = arith.constant 112 : index
    %get3A_152 = tpu.vector_load %arg5[%get3A_151] {strides = array<i32>} : memref<384xi32, #tpu.memory_space<vmem>>, vector<16xi32>,
    %get3A_153 = vector.shape_cast %get3A_152 : vector<16xi32> to vector<16xi32>
    %add3A_154 = arith.constant 4096 : i32
    %add3A_155 = vector.broadcast %add3A_154 : i32 to vector<16xi32>
    %add3A_156 = arith.addi %get3A_153, %add3A_155 : vector<16xi32>
    %swap3A_157 = arith.constant 240 : index
    %swap3A_158 = tpu.vector_load %arg5[%swap3A_157] {strides = array<i32>} : memref<384xi32, #tpu.memory_space<vmem>>, vector<16xi32>,
    %swap3A_159 = vector.shape_cast %swap3A_158 : vector<16xi32> to vector<16xi32>
    %swap3A_160 = vector.shape_cast %add3A_156 : vector<16xi32> to vector<16xi32>
    tpu.vector_store %arg5[%swap3A_157], %swap3A_160 {strides = array<i32>} : memref<384xi32, #tpu.memory_space<vmem>>, vector<16xi32>,
    %get3A_161 = arith.constant 0 : index
    %get3A_162 = tpu.vector_load %arg5[%get3A_161] {strides = array<i32>} : memref<384xi32, #tpu.memory_space<vmem>>, vector<16xi32>,
    %get3A_163 = vector.shape_cast %get3A_162 : vector<16xi32> to vector<16xi32>
    %add3A_164 = arith.constant 0 : i32
    %add3A_165 = vector.broadcast %add3A_164 : i32 to vector<16xi32>
    %add3A_166 = arith.addi %get3A_163, %add3A_165 : vector<16xi32>
    %swap3A_167 = arith.constant 0 : index
    %swap3A_168 = tpu.vector_load %arg5[%swap3A_167] {strides = array<i32>} : memref<384xi32, #tpu.memory_space<vmem>>, vector<16xi32>,
    %swap3A_169 = vector.shape_cast %swap3A_168 : vector<16xi32> to vector<16xi32>
    %swap3A_170 = vector.shape_cast %add3A_166 : vector<16xi32> to vector<16xi32>
    tpu.vector_store %arg5[%swap3A_167], %swap3A_170 {strides = array<i32>} : memref<384xi32, #tpu.memory_space<vmem>>, vector<16xi32>,
    %get3A_171 = arith.constant 16 : index
    %get3A_172 = tpu.vector_load %arg5[%get3A_171] {strides = array<i32>} : memref<384xi32, #tpu.memory_space<vmem>>, vector<16xi32>,
    %get3A_173 = vector.shape_cast %get3A_172 : vector<16xi32> to vector<16xi32>
    %add3A_174 = arith.constant 0 : i32
    %add3A_175 = vector.broadcast %add3A_174 : i32 to vector<16xi32>
    %add3A_176 = arith.addi %get3A_173, %add3A_175 : vector<16xi32>
    %swap3A_177 = arith.constant 16 : index
    %swap3A_178 = tpu.vector_load %arg5[%swap3A_177] {strides = array<i32>} : memref<384xi32, #tpu.memory_space<vmem>>, vector<16xi32>,
    %swap3A_179 = vector.shape_cast %swap3A_178 : vector<16xi32> to vector<16xi32>
    %swap3A_180 = vector.shape_cast %add3A_176 : vector<16xi32> to vector<16xi32>
    tpu.vector_store %arg5[%swap3A_177], %swap3A_180 {strides = array<i32>} : memref<384xi32, #tpu.memory_space<vmem>>, vector<16xi32>,
    %get3A_181 = arith.constant 32 : index
    %get3A_182 = tpu.vector_load %arg5[%get3A_181] {strides = array<i32>} : memref<384xi32, #tpu.memory_space<vmem>>, vector<16xi32>,
    %get3A_183 = vector.shape_cast %get3A_182 : vector<16xi32> to vector<16xi32>
    %add3A_184 = arith.constant 0 : i32
    %add3A_185 = vector.broadcast %add3A_184 : i32 to vector<16xi32>
    %add3A_186 = arith.addi %get3A_183, %add3A_185 : vector<16xi32>
    %swap3A_187 = arith.constant 32 : index
    %swap3A_188 = tpu.vector_load %arg5[%swap3A_187] {strides = array<i32>} : memref<384xi32, #tpu.memory_space<vmem>>, vector<16xi32>,
    %swap3A_189 = vector.shape_cast %swap3A_188 : vector<16xi32> to vector<16xi32>
    %swap3A_190 = vector.shape_cast %add3A_186 : vector<16xi32> to vector<16xi32>
    tpu.vector_store %arg5[%swap3A_187], %swap3A_190 {strides = array<i32>} : memref<384xi32, #tpu.memory_space<vmem>>, vector<16xi32>,
    %get3A_191 = arith.constant 48 : index
    %get3A_192 = tpu.vector_load %arg5[%get3A_191] {strides = array<i32>} : memref<384xi32, #tpu.memory_space<vmem>>, vector<16xi32>,
    %get3A_193 = vector.shape_cast %get3A_192 : vector<16xi32> to vector<16xi32>
    %add3A_194 = arith.constant 0 : i32
    %add3A_195 = vector.broadcast %add3A_194 : i32 to vector<16xi32>
    %add3A_196 = arith.addi %get3A_193, %add3A_195 : vector<16xi32>
    %swap3A_197 = arith.constant 48 : index
    %swap3A_198 = tpu.vector_load %arg5[%swap3A_197] {strides = array<i32>} : memref<384xi32, #tpu.memory_space<vmem>>, vector<16xi32>,
    %swap3A_199 = vector.shape_cast %swap3A_198 : vector<16xi32> to vector<16xi32>
    %swap3A_200 = vector.shape_cast %add3A_196 : vector<16xi32> to vector<16xi32>
    tpu.vector_store %arg5[%swap3A_197], %swap3A_200 {strides = array<i32>} : memref<384xi32, #tpu.memory_space<vmem>>, vector<16xi32>,
    %get3A_201 = arith.constant 64 : index
    %get3A_202 = tpu.vector_load %arg5[%get3A_201] {strides = array<i32>} : memref<384xi32, #tpu.memory_space<vmem>>, vector<16xi32>,
    %get3A_203 = vector.shape_cast %get3A_202 : vector<16xi32> to vector<16xi32>
    %add3A_204 = arith.constant 0 : i32
    %add3A_205 = vector.broadcast %add3A_204 : i32 to vector<16xi32>
    %add3A_206 = arith.addi %get3A_203, %add3A_205 : vector<16xi32>
    %swap3A_207 = arith.constant 64 : index
    %swap3A_208 = tpu.vector_load %arg5[%swap3A_207] {strides = array<i32>} : memref<384xi32, #tpu.memory_space<vmem>>, vector<16xi32>,
    %swap3A_209 = vector.shape_cast %swap3A_208 : vector<16xi32> to vector<16xi32>
    %swap3A_210 = vector.shape_cast %add3A_206 : vector<16xi32> to vector<16xi32>
    tpu.vector_store %arg5[%swap3A_207], %swap3A_210 {strides = array<i32>} : memref<384xi32, #tpu.memory_space<vmem>>, vector<16xi32>,
    %get3A_211 = arith.constant 80 : index
    %get3A_212 = tpu.vector_load %arg5[%get3A_211] {strides = array<i32>} : memref<384xi32, #tpu.memory_space<vmem>>, vector<16xi32>,
    %get3A_213 = vector.shape_cast %get3A_212 : vector<16xi32> to vector<16xi32>
    %add3A_214 = arith.constant 0 : i32
    %add3A_215 = vector.broadcast %add3A_214 : i32 to vector<16xi32>
    %add3A_216 = arith.addi %get3A_213, %add3A_215 : vector<16xi32>
    %swap3A_217 = arith.constant 80 : index
    %swap3A_218 = tpu.vector_load %arg5[%swap3A_217] {strides = array<i32>} : memref<384xi32, #tpu.memory_space<vmem>>, vector<16xi32>,
    %swap3A_219 = vector.shape_cast %swap3A_218 : vector<16xi32> to vector<16xi32>
    %swap3A_220 = vector.shape_cast %add3A_216 : vector<16xi32> to vector<16xi32>
    tpu.vector_store %arg5[%swap3A_217], %swap3A_220 {strides = array<i32>} : memref<384xi32, #tpu.memory_space<vmem>>, vector<16xi32>,
    %get3A_221 = arith.constant 96 : index
    %get3A_222 = tpu.vector_load %arg5[%get3A_221] {strides = array<i32>} : memref<384xi32, #tpu.memory_space<vmem>>, vector<16xi32>,
    %get3A_223 = vector.shape_cast %get3A_222 : vector<16xi32> to vector<16xi32>
    %add3A_224 = arith.constant 0 : i32
    %add3A_225 = vector.broadcast %add3A_224 : i32 to vector<16xi32>
    %add3A_226 = arith.addi %get3A_223, %add3A_225 : vector<16xi32>
    %swap3A_227 = arith.constant 96 : index
    %swap3A_228 = tpu.vector_load %arg5[%swap3A_227] {strides = array<i32>} : memref<384xi32, #tpu.memory_space<vmem>>, vector<16xi32>,
    %swap3A_229 = vector.shape_cast %swap3A_228 : vector<16xi32> to vector<16xi32>
    %swap3A_230 = vector.shape_cast %add3A_226 : vector<16xi32> to vector<16xi32>
    tpu.vector_store %arg5[%swap3A_227], %swap3A_230 {strides = array<i32>} : memref<384xi32, #tpu.memory_space<vmem>>, vector<16xi32>,
    %get3A_231 = arith.constant 112 : index
    %get3A_232 = tpu.vector_load %arg5[%get3A_231] {strides = array<i32>} : memref<384xi32, #tpu.memory_space<vmem>>, vector<16xi32>,
    %get3A_233 = vector.shape_cast %get3A_232 : vector<16xi32> to vector<16xi32>
    %add3A_234 = arith.constant 0 : i32
    %add3A_235 = vector.broadcast %add3A_234 : i32 to vector<16xi32>
    %add3A_236 = arith.addi %get3A_233, %add3A_235 : vector<16xi32>
    %swap3A_237 = arith.constant 112 : index
    %swap3A_238 = tpu.vector_load %arg5[%swap3A_237] {strides = array<i32>} : memref<384xi32, #tpu.memory_space<vmem>>, vector<16xi32>,
    %swap3A_239 = vector.shape_cast %swap3A_238 : vector<16xi32> to vector<16xi32>
    %swap3A_240 = vector.shape_cast %add3A_236 : vector<16xi32> to vector<16xi32>
    tpu.vector_store %arg5[%swap3A_237], %swap3A_240 {strides = array<i32>} : memref<384xi32, #tpu.memory_space<vmem>>, vector<16xi32>,
    %dma_start3A = arith.constant 0 : i32
    %dma_start3A_241 = tpu.memref_slice %arg5[%dma_start3A] : memref<384xi32, #tpu.memory_space<vmem>> -> memref<16xi32, #tpu.memory_space<vmem>>
    %dma_start3A_242 = arith.constant 0 : i32
    %dma_start3A_243 = arith.constant 0 : i32
    %dma_start3A_244 = tpu.memref_slice %arg2[%dma_start3A_242, %dma_start3A_243] : memref<16384x1024xf32, #tpu.memory_space<hbm>> -> memref<16384x1024xf32, #tpu.memory_space<hbm>>
    tpu.enqueue_indirect_dma source(%dma_start3A_244 : memref<16384x1024xf32, #tpu.memory_space<hbm>>) target(%arg6 : memref<16x1024xf32, #tpu.memory_space<vmem>>) offsets(%dma_start3A_241 : memref<16xi32, #tpu.memory_space<vmem>>) semaphore(%arg12 : memref<!tpu.dma_semaphore, #tpu.memory_space<semaphore_mem>>)
    %dma_start3A_245 = arith.constant 16 : i32
    %dma_start3A_246 = tpu.memref_slice %arg5[%dma_start3A_245] : memref<384xi32, #tpu.memory_space<vmem>> -> memref<16xi32, #tpu.memory_space<vmem>>
    %dma_start3A_247 = arith.constant 0 : i32
    %dma_start3A_248 = arith.constant 0 : i32
    %dma_start3A_249 = tpu.memref_slice %arg2[%dma_start3A_247, %dma_start3A_248] : memref<16384x1024xf32, #tpu.memory_space<hbm>> -> memref<16384x1024xf32, #tpu.memory_space<hbm>>
    tpu.enqueue_indirect_dma source(%dma_start3A_249 : memref<16384x1024xf32, #tpu.memory_space<hbm>>) target(%arg7 : memref<16x1024xf32, #tpu.memory_space<vmem>>) offsets(%dma_start3A_246 : memref<16xi32, #tpu.memory_space<vmem>>) semaphore(%arg12 : memref<!tpu.dma_semaphore, #tpu.memory_space<semaphore_mem>>)
    %dma_start3A_250 = arith.constant 32 : i32
    %dma_start3A_251 = tpu.memref_slice %arg5[%dma_start3A_250] : memref<384xi32, #tpu.memory_space<vmem>> -> memref<16xi32, #tpu.memory_space<vmem>>
    %dma_start3A_252 = arith.constant 0 : i32
    %dma_start3A_253 = arith.constant 0 : i32
    %dma_start3A_254 = tpu.memref_slice %arg2[%dma_start3A_252, %dma_start3A_253] : memref<16384x1024xf32, #tpu.memory_space<hbm>> -> memref<16384x1024xf32, #tpu.memory_space<hbm>>
    tpu.enqueue_indirect_dma source(%dma_start3A_254 : memref<16384x1024xf32, #tpu.memory_space<hbm>>) target(%arg8 : memref<16x1024xf32, #tpu.memory_space<vmem>>) offsets(%dma_start3A_251 : memref<16xi32, #tpu.memory_space<vmem>>) semaphore(%arg12 : memref<!tpu.dma_semaphore, #tpu.memory_space<semaphore_mem>>)
    %dma_start3A_255 = arith.constant 48 : i32
    %dma_start3A_256 = tpu.memref_slice %arg5[%dma_start3A_255] : memref<384xi32, #tpu.memory_space<vmem>> -> memref<16xi32, #tpu.memory_space<vmem>>
    %dma_start3A_257 = arith.constant 0 : i32
    %dma_start3A_258 = arith.constant 0 : i32
    %dma_start3A_259 = tpu.memref_slice %arg2[%dma_start3A_257, %dma_start3A_258] : memref<16384x1024xf32, #tpu.memory_space<hbm>> -> memref<16384x1024xf32, #tpu.memory_space<hbm>>
    tpu.enqueue_indirect_dma source(%dma_start3A_259 : memref<16384x1024xf32, #tpu.memory_space<hbm>>) target(%arg9 : memref<16x1024xf32, #tpu.memory_space<vmem>>) offsets(%dma_start3A_256 : memref<16xi32, #tpu.memory_space<vmem>>) semaphore(%arg12 : memref<!tpu.dma_semaphore, #tpu.memory_space<semaphore_mem>>)
    %dma_wait3A = arith.constant 0 : i32
    %dma_wait3A_260 = tpu.memref_slice %arg5[%dma_wait3A] : memref<384xi32, #tpu.memory_space<vmem>> -> memref<16xi32, #tpu.memory_space<vmem>>
    %dma_wait3A_261 = arith.constant 0 : i32
    %dma_wait3A_262 = arith.constant 0 : i32
    %dma_wait3A_263 = tpu.memref_slice %arg2[%dma_wait3A_261, %dma_wait3A_262] : memref<16384x1024xf32, #tpu.memory_space<hbm>> -> memref<16384x1024xf32, #tpu.memory_space<hbm>>
    tpu.wait_indirect_dma semaphore(%arg12 : memref<!tpu.dma_semaphore, #tpu.memory_space<semaphore_mem>>) src(%dma_wait3A_263 : memref<16384x1024xf32, #tpu.memory_space<hbm>>) dst(%arg6 : memref<16x1024xf32, #tpu.memory_space<vmem>>)
    %mul3A_264 = arith.constant 128 : i32
    %mul3A_265 = arith.muli %add3A, %mul3A_264 : i32
    %add3A_266 = arith.constant 0 : i32
    %add3A_267 = arith.addi %add3A_266, %mul3A_265 : i32
    %add3A_268 = arith.constant 0 : i32
    %add3A_269 = arith.addi %add3A_267, %add3A_268 : i32
    %multiple_of3A_270 = tpu.assume_multiple %add3A_269, 16 : i32
    %dma_start3A_271 = arith.constant 0 : i32
    %dma_start3A_272 = tpu.memref_slice %arg4[%multiple_of3A_270, %dma_start3A_271] : memref<12288x1024xf32, #tpu.memory_space<hbm>> -> memref<16x1024xf32, #tpu.memory_space<hbm>>
    %dma_start3A_273 = arith.constant 0 : i32
    %dma_start3A_274 = tpu.memref_slice %arg4[%multiple_of3A_270, %dma_start3A_273] : memref<12288x1024xf32, #tpu.memory_space<hbm>> -> memref<16x1024xf32, #tpu.memory_space<hbm>>
    tpu.enqueue_dma source(%arg6 : memref<16x1024xf32, #tpu.memory_space<vmem>>) target(%dma_start3A_274 : memref<16x1024xf32, #tpu.memory_space<hbm>>) target_semaphore(%arg13 : memref<!tpu.dma_semaphore, #tpu.memory_space<semaphore_mem>>)
    %dma_start3A_275 = arith.constant 64 : i32
    %dma_start3A_276 = tpu.memref_slice %arg5[%dma_start3A_275] : memref<384xi32, #tpu.memory_space<vmem>> -> memref<16xi32, #tpu.memory_space<vmem>>
    %dma_start3A_277 = arith.constant 0 : i32
    %dma_start3A_278 = arith.constant 0 : i32
    %dma_start3A_279 = tpu.memref_slice %arg2[%dma_start3A_277, %dma_start3A_278] : memref<16384x1024xf32, #tpu.memory_space<hbm>> -> memref<16384x1024xf32, #tpu.memory_space<hbm>>
    tpu.enqueue_indirect_dma source(%dma_start3A_279 : memref<16384x1024xf32, #tpu.memory_space<hbm>>) target(%arg10 : memref<16x1024xf32, #tpu.memory_space<vmem>>) offsets(%dma_start3A_276 : memref<16xi32, #tpu.memory_space<vmem>>) semaphore(%arg12 : memref<!tpu.dma_semaphore, #tpu.memory_space<semaphore_mem>>)
    %dma_wait3A_280 = arith.constant 16 : i32
    %dma_wait3A_281 = tpu.memref_slice %arg5[%dma_wait3A_280] : memref<384xi32, #tpu.memory_space<vmem>> -> memref<16xi32, #tpu.memory_space<vmem>>
    %dma_wait3A_282 = arith.constant 0 : i32
    %dma_wait3A_283 = arith.constant 0 : i32
    %dma_wait3A_284 = tpu.memref_slice %arg2[%dma_wait3A_282, %dma_wait3A_283] : memref<16384x1024xf32, #tpu.memory_space<hbm>> -> memref<16384x1024xf32, #tpu.memory_space<hbm>>
    tpu.wait_indirect_dma semaphore(%arg12 : memref<!tpu.dma_semaphore, #tpu.memory_space<semaphore_mem>>) src(%dma_wait3A_284 : memref<16384x1024xf32, #tpu.memory_space<hbm>>) dst(%arg7 : memref<16x1024xf32, #tpu.memory_space<vmem>>)
    %mul3A_285 = arith.constant 128 : i32
    %mul3A_286 = arith.muli %add3A, %mul3A_285 : i32
    %add3A_287 = arith.constant 0 : i32
    %add3A_288 = arith.addi %add3A_287, %mul3A_286 : i32
    %add3A_289 = arith.constant 16 : i32
    %add3A_290 = arith.addi %add3A_288, %add3A_289 : i32
    %multiple_of3A_291 = tpu.assume_multiple %add3A_290, 16 : i32
    %dma_start3A_292 = arith.constant 0 : i32
    %dma_start3A_293 = tpu.memref_slice %arg4[%multiple_of3A_291, %dma_start3A_292] : memref<12288x1024xf32, #tpu.memory_space<hbm>> -> memref<16x1024xf32, #tpu.memory_space<hbm>>
    %dma_start3A_294 = arith.constant 0 : i32
    %dma_start3A_295 = tpu.memref_slice %arg4[%multiple_of3A_291, %dma_start3A_294] : memref<12288x1024xf32, #tpu.memory_space<hbm>> -> memref<16x1024xf32, #tpu.memory_space<hbm>>
    tpu.enqueue_dma source(%arg7 : memref<16x1024xf32, #tpu.memory_space<vmem>>) target(%dma_start3A_295 : memref<16x1024xf32, #tpu.memory_space<hbm>>) target_semaphore(%arg13 : memref<!tpu.dma_semaphore, #tpu.memory_space<semaphore_mem>>)
    %dma_start3A_296 = arith.constant 80 : i32
    %dma_start3A_297 = tpu.memref_slice %arg5[%dma_start3A_296] : memref<384xi32, #tpu.memory_space<vmem>> -> memref<16xi32, #tpu.memory_space<vmem>>
    %dma_start3A_298 = arith.constant 0 : i32
    %dma_start3A_299 = arith.constant 0 : i32
    %dma_start3A_300 = tpu.memref_slice %arg2[%dma_start3A_298, %dma_start3A_299] : memref<16384x1024xf32, #tpu.memory_space<hbm>> -> memref<16384x1024xf32, #tpu.memory_space<hbm>>
    tpu.enqueue_indirect_dma source(%dma_start3A_300 : memref<16384x1024xf32, #tpu.memory_space<hbm>>) target(%arg11 : memref<16x1024xf32, #tpu.memory_space<vmem>>) offsets(%dma_start3A_297 : memref<16xi32, #tpu.memory_space<vmem>>) semaphore(%arg12 : memref<!tpu.dma_semaphore, #tpu.memory_space<semaphore_mem>>)
    %dma_wait3A_301 = arith.constant 32 : i32
    %dma_wait3A_302 = tpu.memref_slice %arg5[%dma_wait3A_301] : memref<384xi32, #tpu.memory_space<vmem>> -> memref<16xi32, #tpu.memory_space<vmem>>
    %dma_wait3A_303 = arith.constant 0 : i32
    %dma_wait3A_304 = arith.constant 0 : i32
    %dma_wait3A_305 = tpu.memref_slice %arg2[%dma_wait3A_303, %dma_wait3A_304] : memref<16384x1024xf32, #tpu.memory_space<hbm>> -> memref<16384x1024xf32, #tpu.memory_space<hbm>>
    tpu.wait_indirect_dma semaphore(%arg12 : memref<!tpu.dma_semaphore, #tpu.memory_space<semaphore_mem>>) src(%dma_wait3A_305 : memref<16384x1024xf32, #tpu.memory_space<hbm>>) dst(%arg8 : memref<16x1024xf32, #tpu.memory_space<vmem>>)
    %mul3A_306 = arith.constant 128 : i32
    %mul3A_307 = arith.muli %add3A, %mul3A_306 : i32
    %add3A_308 = arith.constant 0 : i32
    %add3A_309 = arith.addi %add3A_308, %mul3A_307 : i32
    %add3A_310 = arith.constant 32 : i32
    %add3A_311 = arith.addi %add3A_309, %add3A_310 : i32
    %multiple_of3A_312 = tpu.assume_multiple %add3A_311, 16 : i32
    %dma_start3A_313 = arith.constant 0 : i32
    %dma_start3A_314 = tpu.memref_slice %arg4[%multiple_of3A_312, %dma_start3A_313] : memref<12288x1024xf32, #tpu.memory_space<hbm>> -> memref<16x1024xf32, #tpu.memory_space<hbm>>
    %dma_start3A_315 = arith.constant 0 : i32
    %dma_start3A_316 = tpu.memref_slice %arg4[%multiple_of3A_312, %dma_start3A_315] : memref<12288x1024xf32, #tpu.memory_space<hbm>> -> memref<16x1024xf32, #tpu.memory_space<hbm>>
    tpu.enqueue_dma source(%arg8 : memref<16x1024xf32, #tpu.memory_space<vmem>>) target(%dma_start3A_316 : memref<16x1024xf32, #tpu.memory_space<hbm>>) target_semaphore(%arg13 : memref<!tpu.dma_semaphore, #tpu.memory_space<semaphore_mem>>)
    %dma_wait3A_317 = arith.constant 0 : i32
    %dma_wait3A_318 = tpu.memref_slice %arg4[%multiple_of3A_270, %dma_wait3A_317] : memref<12288x1024xf32, #tpu.memory_space<hbm>> -> memref<16x1024xf32, #tpu.memory_space<hbm>>
    %dma_wait3A_319 = arith.constant 0 : i32
    %dma_wait3A_320 = tpu.memref_slice %arg4[%multiple_of3A_270, %dma_wait3A_319] : memref<12288x1024xf32, #tpu.memory_space<hbm>> -> memref<16x1024xf32, #tpu.memory_space<hbm>>
    tpu.wait_dma2 semaphore(%arg13 : memref<!tpu.dma_semaphore, #tpu.memory_space<semaphore_mem>>) src(%arg6 : memref<16x1024xf32, #tpu.memory_space<vmem>>) dst(%dma_wait3A_320 : memref<16x1024xf32, #tpu.memory_space<hbm>>)
    %dma_start3A_321 = arith.constant 96 : i32
    %dma_start3A_322 = tpu.memref_slice %arg5[%dma_start3A_321] : memref<384xi32, #tpu.memory_space<vmem>> -> memref<16xi32, #tpu.memory_space<vmem>>
    %dma_start3A_323 = arith.constant 0 : i32
    %dma_start3A_324 = arith.constant 0 : i32
    %dma_start3A_325 = tpu.memref_slice %arg2[%dma_start3A_323, %dma_start3A_324] : memref<16384x1024xf32, #tpu.memory_space<hbm>> -> memref<16384x1024xf32, #tpu.memory_space<hbm>>
    tpu.enqueue_indirect_dma source(%dma_start3A_325 : memref<16384x1024xf32, #tpu.memory_space<hbm>>) target(%arg6 : memref<16x1024xf32, #tpu.memory_space<vmem>>) offsets(%dma_start3A_322 : memref<16xi32, #tpu.memory_space<vmem>>) semaphore(%arg12 : memref<!tpu.dma_semaphore, #tpu.memory_space<semaphore_mem>>)
    %dma_wait3A_326 = arith.constant 48 : i32
    %dma_wait3A_327 = tpu.memref_slice %arg5[%dma_wait3A_326] : memref<384xi32, #tpu.memory_space<vmem>> -> memref<16xi32, #tpu.memory_space<vmem>>
    %dma_wait3A_328 = arith.constant 0 : i32
    %dma_wait3A_329 = arith.constant 0 : i32
    %dma_wait3A_330 = tpu.memref_slice %arg2[%dma_wait3A_328, %dma_wait3A_329] : memref<16384x1024xf32, #tpu.memory_space<hbm>> -> memref<16384x1024xf32, #tpu.memory_space<hbm>>
    tpu.wait_indirect_dma semaphore(%arg12 : memref<!tpu.dma_semaphore, #tpu.memory_space<semaphore_mem>>) src(%dma_wait3A_330 : memref<16384x1024xf32, #tpu.memory_space<hbm>>) dst(%arg9 : memref<16x1024xf32, #tpu.memory_space<vmem>>)
    %mul3A_331 = arith.constant 128 : i32
    %mul3A_332 = arith.muli %add3A, %mul3A_331 : i32
    %add3A_333 = arith.constant 0 : i32
    %add3A_334 = arith.addi %add3A_333, %mul3A_332 : i32
    %add3A_335 = arith.constant 48 : i32
    %add3A_336 = arith.addi %add3A_334, %add3A_335 : i32
    %multiple_of3A_337 = tpu.assume_multiple %add3A_336, 16 : i32
    %dma_start3A_338 = arith.constant 0 : i32
    %dma_start3A_339 = tpu.memref_slice %arg4[%multiple_of3A_337, %dma_start3A_338] : memref<12288x1024xf32, #tpu.memory_space<hbm>> -> memref<16x1024xf32, #tpu.memory_space<hbm>>
    %dma_start3A_340 = arith.constant 0 : i32
    %dma_start3A_341 = tpu.memref_slice %arg4[%multiple_of3A_337, %dma_start3A_340] : memref<12288x1024xf32, #tpu.memory_space<hbm>> -> memref<16x1024xf32, #tpu.memory_space<hbm>>
    tpu.enqueue_dma source(%arg9 : memref<16x1024xf32, #tpu.memory_space<vmem>>) target(%dma_start3A_341 : memref<16x1024xf32, #tpu.memory_space<hbm>>) target_semaphore(%arg13 : memref<!tpu.dma_semaphore, #tpu.memory_space<semaphore_mem>>)
    %dma_wait3A_342 = arith.constant 0 : i32
    %dma_wait3A_343 = tpu.memref_slice %arg4[%multiple_of3A_291, %dma_wait3A_342] : memref<12288x1024xf32, #tpu.memory_space<hbm>> -> memref<16x1024xf32, #tpu.memory_space<hbm>>
    %dma_wait3A_344 = arith.constant 0 : i32
    %dma_wait3A_345 = tpu.memref_slice %arg4[%multiple_of3A_291, %dma_wait3A_344] : memref<12288x1024xf32, #tpu.memory_space<hbm>> -> memref<16x1024xf32, #tpu.memory_space<hbm>>
    tpu.wait_dma2 semaphore(%arg13 : memref<!tpu.dma_semaphore, #tpu.memory_space<semaphore_mem>>) src(%arg7 : memref<16x1024xf32, #tpu.memory_space<vmem>>) dst(%dma_wait3A_345 : memref<16x1024xf32, #tpu.memory_space<hbm>>)
    %dma_start3A_346 = arith.constant 112 : i32
    %dma_start3A_347 = tpu.memref_slice %arg5[%dma_start3A_346] : memref<384xi32, #tpu.memory_space<vmem>> -> memref<16xi32, #tpu.memory_space<vmem>>
    %dma_start3A_348 = arith.constant 0 : i32
    %dma_start3A_349 = arith.constant 0 : i32
    %dma_start3A_350 = tpu.memref_slice %arg2[%dma_start3A_348, %dma_start3A_349] : memref<16384x1024xf32, #tpu.memory_space<hbm>> -> memref<16384x1024xf32, #tpu.memory_space<hbm>>
    tpu.enqueue_indirect_dma source(%dma_start3A_350 : memref<16384x1024xf32, #tpu.memory_space<hbm>>) target(%arg7 : memref<16x1024xf32, #tpu.memory_space<vmem>>) offsets(%dma_start3A_347 : memref<16xi32, #tpu.memory_space<vmem>>) semaphore(%arg12 : memref<!tpu.dma_semaphore, #tpu.memory_space<semaphore_mem>>)
    %dma_wait3A_351 = arith.constant 64 : i32
    %dma_wait3A_352 = tpu.memref_slice %arg5[%dma_wait3A_351] : memref<384xi32, #tpu.memory_space<vmem>> -> memref<16xi32, #tpu.memory_space<vmem>>
    %dma_wait3A_353 = arith.constant 0 : i32
    %dma_wait3A_354 = arith.constant 0 : i32
    %dma_wait3A_355 = tpu.memref_slice %arg2[%dma_wait3A_353, %dma_wait3A_354] : memref<16384x1024xf32, #tpu.memory_space<hbm>> -> memref<16384x1024xf32, #tpu.memory_space<hbm>>
    tpu.wait_indirect_dma semaphore(%arg12 : memref<!tpu.dma_semaphore, #tpu.memory_space<semaphore_mem>>) src(%dma_wait3A_355 : memref<16384x1024xf32, #tpu.memory_space<hbm>>) dst(%arg10 : memref<16x1024xf32, #tpu.memory_space<vmem>>)
    %mul3A_356 = arith.constant 128 : i32
    %mul3A_357 = arith.muli %add3A, %mul3A_356 : i32
    %add3A_358 = arith.constant 0 : i32
    %add3A_359 = arith.addi %add3A_358, %mul3A_357 : i32
    %add3A_360 = arith.constant 64 : i32
    %add3A_361 = arith.addi %add3A_359, %add3A_360 : i32
    %multiple_of3A_362 = tpu.assume_multiple %add3A_361, 16 : i32
    %dma_start3A_363 = arith.constant 0 : i32
    %dma_start3A_364 = tpu.memref_slice %arg4[%multiple_of3A_362, %dma_start3A_363] : memref<12288x1024xf32, #tpu.memory_space<hbm>> -> memref<16x1024xf32, #tpu.memory_space<hbm>>
    %dma_start3A_365 = arith.constant 0 : i32
    %dma_start3A_366 = tpu.memref_slice %arg4[%multiple_of3A_362, %dma_start3A_365] : memref<12288x1024xf32, #tpu.memory_space<hbm>> -> memref<16x1024xf32, #tpu.memory_space<hbm>>
    tpu.enqueue_dma source(%arg10 : memref<16x1024xf32, #tpu.memory_space<vmem>>) target(%dma_start3A_366 : memref<16x1024xf32, #tpu.memory_space<hbm>>) target_semaphore(%arg13 : memref<!tpu.dma_semaphore, #tpu.memory_space<semaphore_mem>>)
    %dma_wait3A_367 = arith.constant 0 : i32
    %dma_wait3A_368 = tpu.memref_slice %arg4[%multiple_of3A_312, %dma_wait3A_367] : memref<12288x1024xf32, #tpu.memory_space<hbm>> -> memref<16x1024xf32, #tpu.memory_space<hbm>>
    %dma_wait3A_369 = arith.constant 0 : i32
    %dma_wait3A_370 = tpu.memref_slice %arg4[%multiple_of3A_312, %dma_wait3A_369] : memref<12288x1024xf32, #tpu.memory_space<hbm>> -> memref<16x1024xf32, #tpu.memory_space<hbm>>
    tpu.wait_dma2 semaphore(%arg13 : memref<!tpu.dma_semaphore, #tpu.memory_space<semaphore_mem>>) src(%arg8 : memref<16x1024xf32, #tpu.memory_space<vmem>>) dst(%dma_wait3A_370 : memref<16x1024xf32, #tpu.memory_space<hbm>>)
    %dma_start3A_371 = arith.constant 128 : i32
    %dma_start3A_372 = tpu.memref_slice %arg5[%dma_start3A_371] : memref<384xi32, #tpu.memory_space<vmem>> -> memref<16xi32, #tpu.memory_space<vmem>>
    %dma_start3A_373 = arith.constant 0 : i32
    %dma_start3A_374 = arith.constant 0 : i32
    %dma_start3A_375 = tpu.memref_slice %arg2[%dma_start3A_373, %dma_start3A_374] : memref<16384x1024xf32, #tpu.memory_space<hbm>> -> memref<16384x1024xf32, #tpu.memory_space<hbm>>
    tpu.enqueue_indirect_dma source(%dma_start3A_375 : memref<16384x1024xf32, #tpu.memory_space<hbm>>) target(%arg8 : memref<16x1024xf32, #tpu.memory_space<vmem>>) offsets(%dma_start3A_372 : memref<16xi32, #tpu.memory_space<vmem>>) semaphore(%arg12 : memref<!tpu.dma_semaphore, #tpu.memory_space<semaphore_mem>>)
    %dma_wait3A_376 = arith.constant 80 : i32
    %dma_wait3A_377 = tpu.memref_slice %arg5[%dma_wait3A_376] : memref<384xi32, #tpu.memory_space<vmem>> -> memref<16xi32, #tpu.memory_space<vmem>>
    %dma_wait3A_378 = arith.constant 0 : i32
    %dma_wait3A_379 = arith.constant 0 : i32
    %dma_wait3A_380 = tpu.memref_slice %arg2[%dma_wait3A_378, %dma_wait3A_379] : memref<16384x1024xf32, #tpu.memory_space<hbm>> -> memref<16384x1024xf32, #tpu.memory_space<hbm>>
    tpu.wait_indirect_dma semaphore(%arg12 : memref<!tpu.dma_semaphore, #tpu.memory_space<semaphore_mem>>) src(%dma_wait3A_380 : memref<16384x1024xf32, #tpu.memory_space<hbm>>) dst(%arg11 : memref<16x1024xf32, #tpu.memory_space<vmem>>)
    %mul3A_381 = arith.constant 128 : i32
    %mul3A_382 = arith.muli %add3A, %mul3A_381 : i32
    %add3A_383 = arith.constant 0 : i32
    %add3A_384 = arith.addi %add3A_383, %mul3A_382 : i32
    %add3A_385 = arith.constant 80 : i32
    %add3A_386 = arith.addi %add3A_384, %add3A_385 : i32
    %multiple_of3A_387 = tpu.assume_multiple %add3A_386, 16 : i32
    %dma_start3A_388 = arith.constant 0 : i32
    %dma_start3A_389 = tpu.memref_slice %arg4[%multiple_of3A_387, %dma_start3A_388] : memref<12288x1024xf32, #tpu.memory_space<hbm>> -> memref<16x1024xf32, #tpu.memory_space<hbm>>
    %dma_start3A_390 = arith.constant 0 : i32
    %dma_start3A_391 = tpu.memref_slice %arg4[%multiple_of3A_387, %dma_start3A_390] : memref<12288x1024xf32, #tpu.memory_space<hbm>> -> memref<16x1024xf32, #tpu.memory_space<hbm>>
    tpu.enqueue_dma source(%arg11 : memref<16x1024xf32, #tpu.memory_space<vmem>>) target(%dma_start3A_391 : memref<16x1024xf32, #tpu.memory_space<hbm>>) target_semaphore(%arg13 : memref<!tpu.dma_semaphore, #tpu.memory_space<semaphore_mem>>)
    %dma_wait3A_392 = arith.constant 0 : i32
    %dma_wait3A_393 = tpu.memref_slice %arg4[%multiple_of3A_337, %dma_wait3A_392] : memref<12288x1024xf32, #tpu.memory_space<hbm>> -> memref<16x1024xf32, #tpu.memory_space<hbm>>
    %dma_wait3A_394 = arith.constant 0 : i32
    %dma_wait3A_395 = tpu.memref_slice %arg4[%multiple_of3A_337, %dma_wait3A_394] : memref<12288x1024xf32, #tpu.memory_space<hbm>> -> memref<16x1024xf32, #tpu.memory_space<hbm>>
    tpu.wait_dma2 semaphore(%arg13 : memref<!tpu.dma_semaphore, #tpu.memory_space<semaphore_mem>>) src(%arg9 : memref<16x1024xf32, #tpu.memory_space<vmem>>) dst(%dma_wait3A_395 : memref<16x1024xf32, #tpu.memory_space<hbm>>)
    %dma_start3A_396 = arith.constant 144 : i32
    %dma_start3A_397 = tpu.memref_slice %arg5[%dma_start3A_396] : memref<384xi32, #tpu.memory_space<vmem>> -> memref<16xi32, #tpu.memory_space<vmem>>
    %dma_start3A_398 = arith.constant 0 : i32
    %dma_start3A_399 = arith.constant 0 : i32
    %dma_start3A_400 = tpu.memref_slice %arg2[%dma_start3A_398, %dma_start3A_399] : memref<16384x1024xf32, #tpu.memory_space<hbm>> -> memref<16384x1024xf32, #tpu.memory_space<hbm>>
    tpu.enqueue_indirect_dma source(%dma_start3A_400 : memref<16384x1024xf32, #tpu.memory_space<hbm>>) target(%arg9 : memref<16x1024xf32, #tpu.memory_space<vmem>>) offsets(%dma_start3A_397 : memref<16xi32, #tpu.memory_space<vmem>>) semaphore(%arg12 : memref<!tpu.dma_semaphore, #tpu.memory_space<semaphore_mem>>)
    %dma_wait3A_401 = arith.constant 96 : i32
    %dma_wait3A_402 = tpu.memref_slice %arg5[%dma_wait3A_401] : memref<384xi32, #tpu.memory_space<vmem>> -> memref<16xi32, #tpu.memory_space<vmem>>
    %dma_wait3A_403 = arith.constant 0 : i32
    %dma_wait3A_404 = arith.constant 0 : i32
    %dma_wait3A_405 = tpu.memref_slice %arg2[%dma_wait3A_403, %dma_wait3A_404] : memref<16384x1024xf32, #tpu.memory_space<hbm>> -> memref<16384x1024xf32, #tpu.memory_space<hbm>>
    tpu.wait_indirect_dma semaphore(%arg12 : memref<!tpu.dma_semaphore, #tpu.memory_space<semaphore_mem>>) src(%dma_wait3A_405 : memref<16384x1024xf32, #tpu.memory_space<hbm>>) dst(%arg6 : memref<16x1024xf32, #tpu.memory_space<vmem>>)
    %mul3A_406 = arith.constant 128 : i32
    %mul3A_407 = arith.muli %add3A, %mul3A_406 : i32
    %add3A_408 = arith.constant 0 : i32
    %add3A_409 = arith.addi %add3A_408, %mul3A_407 : i32
    %add3A_410 = arith.constant 96 : i32
    %add3A_411 = arith.addi %add3A_409, %add3A_410 : i32
    %multiple_of3A_412 = tpu.assume_multiple %add3A_411, 16 : i32
    %dma_start3A_413 = arith.constant 0 : i32
    %dma_start3A_414 = tpu.memref_slice %arg4[%multiple_of3A_412, %dma_start3A_413] : memref<12288x1024xf32, #tpu.memory_space<hbm>> -> memref<16x1024xf32, #tpu.memory_space<hbm>>
    %dma_start3A_415 = arith.constant 0 : i32
    %dma_start3A_416 = tpu.memref_slice %arg4[%multiple_of3A_412, %dma_start3A_415] : memref<12288x1024xf32, #tpu.memory_space<hbm>> -> memref<16x1024xf32, #tpu.memory_space<hbm>>
    tpu.enqueue_dma source(%arg6 : memref<16x1024xf32, #tpu.memory_space<vmem>>) target(%dma_start3A_416 : memref<16x1024xf32, #tpu.memory_space<hbm>>) target_semaphore(%arg13 : memref<!tpu.dma_semaphore, #tpu.memory_space<semaphore_mem>>)
    %dma_wait3A_417 = arith.constant 0 : i32
    %dma_wait3A_418 = tpu.memref_slice %arg4[%multiple_of3A_362, %dma_wait3A_417] : memref<12288x1024xf32, #tpu.memory_space<hbm>> -> memref<16x1024xf32, #tpu.memory_space<hbm>>
    %dma_wait3A_419 = arith.constant 0 : i32
    %dma_wait3A_420 = tpu.memref_slice %arg4[%multiple_of3A_362, %dma_wait3A_419] : memref<12288x1024xf32, #tpu.memory_space<hbm>> -> memref<16x1024xf32, #tpu.memory_space<hbm>>
    tpu.wait_dma2 semaphore(%arg13 : memref<!tpu.dma_semaphore, #tpu.memory_space<semaphore_mem>>) src(%arg10 : memref<16x1024xf32, #tpu.memory_space<vmem>>) dst(%dma_wait3A_420 : memref<16x1024xf32, #tpu.memory_space<hbm>>)
    %dma_start3A_421 = arith.constant 160 : i32
    %dma_start3A_422 = tpu.memref_slice %arg5[%dma_start3A_421] : memref<384xi32, #tpu.memory_space<vmem>> -> memref<16xi32, #tpu.memory_space<vmem>>
    %dma_start3A_423 = arith.constant 0 : i32
    %dma_start3A_424 = arith.constant 0 : i32
    %dma_start3A_425 = tpu.memref_slice %arg2[%dma_start3A_423, %dma_start3A_424] : memref<16384x1024xf32, #tpu.memory_space<hbm>> -> memref<16384x1024xf32, #tpu.memory_space<hbm>>
    tpu.enqueue_indirect_dma source(%dma_start3A_425 : memref<16384x1024xf32, #tpu.memory_space<hbm>>) target(%arg10 : memref<16x1024xf32, #tpu.memory_space<vmem>>) offsets(%dma_start3A_422 : memref<16xi32, #tpu.memory_space<vmem>>) semaphore(%arg12 : memref<!tpu.dma_semaphore, #tpu.memory_space<semaphore_mem>>)
    %dma_wait3A_426 = arith.constant 112 : i32
    %dma_wait3A_427 = tpu.memref_slice %arg5[%dma_wait3A_426] : memref<384xi32, #tpu.memory_space<vmem>> -> memref<16xi32, #tpu.memory_space<vmem>>
    %dma_wait3A_428 = arith.constant 0 : i32
    %dma_wait3A_429 = arith.constant 0 : i32
    %dma_wait3A_430 = tpu.memref_slice %arg2[%dma_wait3A_428, %dma_wait3A_429] : memref<16384x1024xf32, #tpu.memory_space<hbm>> -> memref<16384x1024xf32, #tpu.memory_space<hbm>>
    tpu.wait_indirect_dma semaphore(%arg12 : memref<!tpu.dma_semaphore, #tpu.memory_space<semaphore_mem>>) src(%dma_wait3A_430 : memref<16384x1024xf32, #tpu.memory_space<hbm>>) dst(%arg7 : memref<16x1024xf32, #tpu.memory_space<vmem>>)
    %mul3A_431 = arith.constant 128 : i32
    %mul3A_432 = arith.muli %add3A, %mul3A_431 : i32
    %add3A_433 = arith.constant 0 : i32
    %add3A_434 = arith.addi %add3A_433, %mul3A_432 : i32
    %add3A_435 = arith.constant 112 : i32
    %add3A_436 = arith.addi %add3A_434, %add3A_435 : i32
    %multiple_of3A_437 = tpu.assume_multiple %add3A_436, 16 : i32
    %dma_start3A_438 = arith.constant 0 : i32
    %dma_start3A_439 = tpu.memref_slice %arg4[%multiple_of3A_437, %dma_start3A_438] : memref<12288x1024xf32, #tpu.memory_space<hbm>> -> memref<16x1024xf32, #tpu.memory_space<hbm>>
    %dma_start3A_440 = arith.constant 0 : i32
    %dma_start3A_441 = tpu.memref_slice %arg4[%multiple_of3A_437, %dma_start3A_440] : memref<12288x1024xf32, #tpu.memory_space<hbm>> -> memref<16x1024xf32, #tpu.memory_space<hbm>>
    tpu.enqueue_dma source(%arg7 : memref<16x1024xf32, #tpu.memory_space<vmem>>) target(%dma_start3A_441 : memref<16x1024xf32, #tpu.memory_space<hbm>>) target_semaphore(%arg13 : memref<!tpu.dma_semaphore, #tpu.memory_space<semaphore_mem>>)
    %dma_wait3A_442 = arith.constant 0 : i32
    %dma_wait3A_443 = tpu.memref_slice %arg4[%multiple_of3A_387, %dma_wait3A_442] : memref<12288x1024xf32, #tpu.memory_space<hbm>> -> memref<16x1024xf32, #tpu.memory_space<hbm>>
    %dma_wait3A_444 = arith.constant 0 : i32
    %dma_wait3A_445 = tpu.memref_slice %arg4[%multiple_of3A_387, %dma_wait3A_444] : memref<12288x1024xf32, #tpu.memory_space<hbm>> -> memref<16x1024xf32, #tpu.memory_space<hbm>>
    tpu.wait_dma2 semaphore(%arg13 : memref<!tpu.dma_semaphore, #tpu.memory_space<semaphore_mem>>) src(%arg11 : memref<16x1024xf32, #tpu.memory_space<vmem>>) dst(%dma_wait3A_445 : memref<16x1024xf32, #tpu.memory_space<hbm>>)
    %dma_start3A_446 = arith.constant 176 : i32
    %dma_start3A_447 = tpu.memref_slice %arg5[%dma_start3A_446] : memref<384xi32, #tpu.memory_space<vmem>> -> memref<16xi32, #tpu.memory_space<vmem>>
    %dma_start3A_448 = arith.constant 0 : i32
    %dma_start3A_449 = arith.constant 0 : i32
    %dma_start3A_450 = tpu.memref_slice %arg2[%dma_start3A_448, %dma_start3A_449] : memref<16384x1024xf32, #tpu.memory_space<hbm>> -> memref<16384x1024xf32, #tpu.memory_space<hbm>>
    tpu.enqueue_indirect_dma source(%dma_start3A_450 : memref<16384x1024xf32, #tpu.memory_space<hbm>>) target(%arg11 : memref<16x1024xf32, #tpu.memory_space<vmem>>) offsets(%dma_start3A_447 : memref<16xi32, #tpu.memory_space<vmem>>) semaphore(%arg12 : memref<!tpu.dma_semaphore, #tpu.memory_space<semaphore_mem>>)
    %dma_wait3A_451 = arith.constant 128 : i32
    %dma_wait3A_452 = tpu.memref_slice %arg5[%dma_wait3A_451] : memref<384xi32, #tpu.memory_space<vmem>> -> memref<16xi32, #tpu.memory_space<vmem>>
    %dma_wait3A_453 = arith.constant 0 : i32
    %dma_wait3A_454 = arith.constant 0 : i32
    %dma_wait3A_455 = tpu.memref_slice %arg2[%dma_wait3A_453, %dma_wait3A_454] : memref<16384x1024xf32, #tpu.memory_space<hbm>> -> memref<16384x1024xf32, #tpu.memory_space<hbm>>
    tpu.wait_indirect_dma semaphore(%arg12 : memref<!tpu.dma_semaphore, #tpu.memory_space<semaphore_mem>>) src(%dma_wait3A_455 : memref<16384x1024xf32, #tpu.memory_space<hbm>>) dst(%arg8 : memref<16x1024xf32, #tpu.memory_space<vmem>>)
    %mul3A_456 = arith.constant 128 : i32
    %mul3A_457 = arith.muli %add3A, %mul3A_456 : i32
    %add3A_458 = arith.constant 4096 : i32
    %add3A_459 = arith.addi %add3A_458, %mul3A_457 : i32
    %add3A_460 = arith.constant 0 : i32
    %add3A_461 = arith.addi %add3A_459, %add3A_460 : i32
    %multiple_of3A_462 = tpu.assume_multiple %add3A_461, 16 : i32
    %dma_start3A_463 = arith.constant 0 : i32
    %dma_start3A_464 = tpu.memref_slice %arg4[%multiple_of3A_462, %dma_start3A_463] : memref<12288x1024xf32, #tpu.memory_space<hbm>> -> memref<16x1024xf32, #tpu.memory_space<hbm>>
    %dma_start3A_465 = arith.constant 0 : i32
    %dma_start3A_466 = tpu.memref_slice %arg4[%multiple_of3A_462, %dma_start3A_465] : memref<12288x1024xf32, #tpu.memory_space<hbm>> -> memref<16x1024xf32, #tpu.memory_space<hbm>>
    tpu.enqueue_dma source(%arg8 : memref<16x1024xf32, #tpu.memory_space<vmem>>) target(%dma_start3A_466 : memref<16x1024xf32, #tpu.memory_space<hbm>>) target_semaphore(%arg13 : memref<!tpu.dma_semaphore, #tpu.memory_space<semaphore_mem>>)
    %dma_wait3A_467 = arith.constant 0 : i32
    %dma_wait3A_468 = tpu.memref_slice %arg4[%multiple_of3A_412, %dma_wait3A_467] : memref<12288x1024xf32, #tpu.memory_space<hbm>> -> memref<16x1024xf32, #tpu.memory_space<hbm>>
    %dma_wait3A_469 = arith.constant 0 : i32
    %dma_wait3A_470 = tpu.memref_slice %arg4[%multiple_of3A_412, %dma_wait3A_469] : memref<12288x1024xf32, #tpu.memory_space<hbm>> -> memref<16x1024xf32, #tpu.memory_space<hbm>>
    tpu.wait_dma2 semaphore(%arg13 : memref<!tpu.dma_semaphore, #tpu.memory_space<semaphore_mem>>) src(%arg6 : memref<16x1024xf32, #tpu.memory_space<vmem>>) dst(%dma_wait3A_470 : memref<16x1024xf32, #tpu.memory_space<hbm>>)
    %dma_start3A_471 = arith.constant 192 : i32
    %dma_start3A_472 = tpu.memref_slice %arg5[%dma_start3A_471] : memref<384xi32, #tpu.memory_space<vmem>> -> memref<16xi32, #tpu.memory_space<vmem>>
    %dma_start3A_473 = arith.constant 0 : i32
    %dma_start3A_474 = arith.constant 0 : i32
    %dma_start3A_475 = tpu.memref_slice %arg2[%dma_start3A_473, %dma_start3A_474] : memref<16384x1024xf32, #tpu.memory_space<hbm>> -> memref<16384x1024xf32, #tpu.memory_space<hbm>>
    tpu.enqueue_indirect_dma source(%dma_start3A_475 : memref<16384x1024xf32, #tpu.memory_space<hbm>>) target(%arg6 : memref<16x1024xf32, #tpu.memory_space<vmem>>) offsets(%dma_start3A_472 : memref<16xi32, #tpu.memory_space<vmem>>) semaphore(%arg12 : memref<!tpu.dma_semaphore, #tpu.memory_space<semaphore_mem>>)
    %dma_wait3A_476 = arith.constant 144 : i32
    %dma_wait3A_477 = tpu.memref_slice %arg5[%dma_wait3A_476] : memref<384xi32, #tpu.memory_space<vmem>> -> memref<16xi32, #tpu.memory_space<vmem>>
    %dma_wait3A_478 = arith.constant 0 : i32
    %dma_wait3A_479 = arith.constant 0 : i32
    %dma_wait3A_480 = tpu.memref_slice %arg2[%dma_wait3A_478, %dma_wait3A_479] : memref<16384x1024xf32, #tpu.memory_space<hbm>> -> memref<16384x1024xf32, #tpu.memory_space<hbm>>
    tpu.wait_indirect_dma semaphore(%arg12 : memref<!tpu.dma_semaphore, #tpu.memory_space<semaphore_mem>>) src(%dma_wait3A_480 : memref<16384x1024xf32, #tpu.memory_space<hbm>>) dst(%arg9 : memref<16x1024xf32, #tpu.memory_space<vmem>>)
    %mul3A_481 = arith.constant 128 : i32
    %mul3A_482 = arith.muli %add3A, %mul3A_481 : i32
    %add3A_483 = arith.constant 4096 : i32
    %add3A_484 = arith.addi %add3A_483, %mul3A_482 : i32
    %add3A_485 = arith.constant 16 : i32
    %add3A_486 = arith.addi %add3A_484, %add3A_485 : i32
    %multiple_of3A_487 = tpu.assume_multiple %add3A_486, 16 : i32
    %dma_start3A_488 = arith.constant 0 : i32
    %dma_start3A_489 = tpu.memref_slice %arg4[%multiple_of3A_487, %dma_start3A_488] : memref<12288x1024xf32, #tpu.memory_space<hbm>> -> memref<16x1024xf32, #tpu.memory_space<hbm>>
    %dma_start3A_490 = arith.constant 0 : i32
    %dma_start3A_491 = tpu.memref_slice %arg4[%multiple_of3A_487, %dma_start3A_490] : memref<12288x1024xf32, #tpu.memory_space<hbm>> -> memref<16x1024xf32, #tpu.memory_space<hbm>>
    tpu.enqueue_dma source(%arg9 : memref<16x1024xf32, #tpu.memory_space<vmem>>) target(%dma_start3A_491 : memref<16x1024xf32, #tpu.memory_space<hbm>>) target_semaphore(%arg13 : memref<!tpu.dma_semaphore, #tpu.memory_space<semaphore_mem>>)
    %dma_wait3A_492 = arith.constant 0 : i32
    %dma_wait3A_493 = tpu.memref_slice %arg4[%multiple_of3A_437, %dma_wait3A_492] : memref<12288x1024xf32, #tpu.memory_space<hbm>> -> memref<16x1024xf32, #tpu.memory_space<hbm>>
    %dma_wait3A_494 = arith.constant 0 : i32
    %dma_wait3A_495 = tpu.memref_slice %arg4[%multiple_of3A_437, %dma_wait3A_494] : memref<12288x1024xf32, #tpu.memory_space<hbm>> -> memref<16x1024xf32, #tpu.memory_space<hbm>>
    tpu.wait_dma2 semaphore(%arg13 : memref<!tpu.dma_semaphore, #tpu.memory_space<semaphore_mem>>) src(%arg7 : memref<16x1024xf32, #tpu.memory_space<vmem>>) dst(%dma_wait3A_495 : memref<16x1024xf32, #tpu.memory_space<hbm>>)
    %dma_start3A_496 = arith.constant 208 : i32
    %dma_start3A_497 = tpu.memref_slice %arg5[%dma_start3A_496] : memref<384xi32, #tpu.memory_space<vmem>> -> memref<16xi32, #tpu.memory_space<vmem>>
    %dma_start3A_498 = arith.constant 0 : i32
    %dma_start3A_499 = arith.constant 0 : i32
    %dma_start3A_500 = tpu.memref_slice %arg2[%dma_start3A_498, %dma_start3A_499] : memref<16384x1024xf32, #tpu.memory_space<hbm>> -> memref<16384x1024xf32, #tpu.memory_space<hbm>>
    tpu.enqueue_indirect_dma source(%dma_start3A_500 : memref<16384x1024xf32, #tpu.memory_space<hbm>>) target(%arg7 : memref<16x1024xf32, #tpu.memory_space<vmem>>) offsets(%dma_start3A_497 : memref<16xi32, #tpu.memory_space<vmem>>) semaphore(%arg12 : memref<!tpu.dma_semaphore, #tpu.memory_space<semaphore_mem>>)
    %dma_wait3A_501 = arith.constant 160 : i32
    %dma_wait3A_502 = tpu.memref_slice %arg5[%dma_wait3A_501] : memref<384xi32, #tpu.memory_space<vmem>> -> memref<16xi32, #tpu.memory_space<vmem>>
    %dma_wait3A_503 = arith.constant 0 : i32
    %dma_wait3A_504 = arith.constant 0 : i32
    %dma_wait3A_505 = tpu.memref_slice %arg2[%dma_wait3A_503, %dma_wait3A_504] : memref<16384x1024xf32, #tpu.memory_space<hbm>> -> memref<16384x1024xf32, #tpu.memory_space<hbm>>
    tpu.wait_indirect_dma semaphore(%arg12 : memref<!tpu.dma_semaphore, #tpu.memory_space<semaphore_mem>>) src(%dma_wait3A_505 : memref<16384x1024xf32, #tpu.memory_space<hbm>>) dst(%arg10 : memref<16x1024xf32, #tpu.memory_space<vmem>>)
    %mul3A_506 = arith.constant 128 : i32
    %mul3A_507 = arith.muli %add3A, %mul3A_506 : i32
    %add3A_508 = arith.constant 4096 : i32
    %add3A_509 = arith.addi %add3A_508, %mul3A_507 : i32
    %add3A_510 = arith.constant 32 : i32
    %add3A_511 = arith.addi %add3A_509, %add3A_510 : i32
    %multiple_of3A_512 = tpu.assume_multiple %add3A_511, 16 : i32
    %dma_start3A_513 = arith.constant 0 : i32
    %dma_start3A_514 = tpu.memref_slice %arg4[%multiple_of3A_512, %dma_start3A_513] : memref<12288x1024xf32, #tpu.memory_space<hbm>> -> memref<16x1024xf32, #tpu.memory_space<hbm>>
    %dma_start3A_515 = arith.constant 0 : i32
    %dma_start3A_516 = tpu.memref_slice %arg4[%multiple_of3A_512, %dma_start3A_515] : memref<12288x1024xf32, #tpu.memory_space<hbm>> -> memref<16x1024xf32, #tpu.memory_space<hbm>>
    tpu.enqueue_dma source(%arg10 : memref<16x1024xf32, #tpu.memory_space<vmem>>) target(%dma_start3A_516 : memref<16x1024xf32, #tpu.memory_space<hbm>>) target_semaphore(%arg13 : memref<!tpu.dma_semaphore, #tpu.memory_space<semaphore_mem>>)
    %dma_wait3A_517 = arith.constant 0 : i32
    %dma_wait3A_518 = tpu.memref_slice %arg4[%multiple_of3A_462, %dma_wait3A_517] : memref<12288x1024xf32, #tpu.memory_space<hbm>> -> memref<16x1024xf32, #tpu.memory_space<hbm>>
    %dma_wait3A_519 = arith.constant 0 : i32
    %dma_wait3A_520 = tpu.memref_slice %arg4[%multiple_of3A_462, %dma_wait3A_519] : memref<12288x1024xf32, #tpu.memory_space<hbm>> -> memref<16x1024xf32, #tpu.memory_space<hbm>>
    tpu.wait_dma2 semaphore(%arg13 : memref<!tpu.dma_semaphore, #tpu.memory_space<semaphore_mem>>) src(%arg8 : memref<16x1024xf32, #tpu.memory_space<vmem>>) dst(%dma_wait3A_520 : memref<16x1024xf32, #tpu.memory_space<hbm>>)
    %dma_start3A_521 = arith.constant 224 : i32
    %dma_start3A_522 = tpu.memref_slice %arg5[%dma_start3A_521] : memref<384xi32, #tpu.memory_space<vmem>> -> memref<16xi32, #tpu.memory_space<vmem>>
    %dma_start3A_523 = arith.constant 0 : i32
    %dma_start3A_524 = arith.constant 0 : i32
    %dma_start3A_525 = tpu.memref_slice %arg2[%dma_start3A_523, %dma_start3A_524] : memref<16384x1024xf32, #tpu.memory_space<hbm>> -> memref<16384x1024xf32, #tpu.memory_space<hbm>>
    tpu.enqueue_indirect_dma source(%dma_start3A_525 : memref<16384x1024xf32, #tpu.memory_space<hbm>>) target(%arg8 : memref<16x1024xf32, #tpu.memory_space<vmem>>) offsets(%dma_start3A_522 : memref<16xi32, #tpu.memory_space<vmem>>) semaphore(%arg12 : memref<!tpu.dma_semaphore, #tpu.memory_space<semaphore_mem>>)
    %dma_wait3A_526 = arith.constant 176 : i32
    %dma_wait3A_527 = tpu.memref_slice %arg5[%dma_wait3A_526] : memref<384xi32, #tpu.memory_space<vmem>> -> memref<16xi32, #tpu.memory_space<vmem>>
    %dma_wait3A_528 = arith.constant 0 : i32
    %dma_wait3A_529 = arith.constant 0 : i32
    %dma_wait3A_530 = tpu.memref_slice %arg2[%dma_wait3A_528, %dma_wait3A_529] : memref<16384x1024xf32, #tpu.memory_space<hbm>> -> memref<16384x1024xf32, #tpu.memory_space<hbm>>
    tpu.wait_indirect_dma semaphore(%arg12 : memref<!tpu.dma_semaphore, #tpu.memory_space<semaphore_mem>>) src(%dma_wait3A_530 : memref<16384x1024xf32, #tpu.memory_space<hbm>>) dst(%arg11 : memref<16x1024xf32, #tpu.memory_space<vmem>>)
    %mul3A_531 = arith.constant 128 : i32
    %mul3A_532 = arith.muli %add3A, %mul3A_531 : i32
    %add3A_533 = arith.constant 4096 : i32
    %add3A_534 = arith.addi %add3A_533, %mul3A_532 : i32
    %add3A_535 = arith.constant 48 : i32
    %add3A_536 = arith.addi %add3A_534, %add3A_535 : i32
    %multiple_of3A_537 = tpu.assume_multiple %add3A_536, 16 : i32
    %dma_start3A_538 = arith.constant 0 : i32
    %dma_start3A_539 = tpu.memref_slice %arg4[%multiple_of3A_537, %dma_start3A_538] : memref<12288x1024xf32, #tpu.memory_space<hbm>> -> memref<16x1024xf32, #tpu.memory_space<hbm>>
    %dma_start3A_540 = arith.constant 0 : i32
    %dma_start3A_541 = tpu.memref_slice %arg4[%multiple_of3A_537, %dma_start3A_540] : memref<12288x1024xf32, #tpu.memory_space<hbm>> -> memref<16x1024xf32, #tpu.memory_space<hbm>>
    tpu.enqueue_dma source(%arg11 : memref<16x1024xf32, #tpu.memory_space<vmem>>) target(%dma_start3A_541 : memref<16x1024xf32, #tpu.memory_space<hbm>>) target_semaphore(%arg13 : memref<!tpu.dma_semaphore, #tpu.memory_space<semaphore_mem>>)
    %dma_wait3A_542 = arith.constant 0 : i32
    %dma_wait3A_543 = tpu.memref_slice %arg4[%multiple_of3A_487, %dma_wait3A_542] : memref<12288x1024xf32, #tpu.memory_space<hbm>> -> memref<16x1024xf32, #tpu.memory_space<hbm>>
    %dma_wait3A_544 = arith.constant 0 : i32
    %dma_wait3A_545 = tpu.memref_slice %arg4[%multiple_of3A_487, %dma_wait3A_544] : memref<12288x1024xf32, #tpu.memory_space<hbm>> -> memref<16x1024xf32, #tpu.memory_space<hbm>>
    tpu.wait_dma2 semaphore(%arg13 : memref<!tpu.dma_semaphore, #tpu.memory_space<semaphore_mem>>) src(%arg9 : memref<16x1024xf32, #tpu.memory_space<vmem>>) dst(%dma_wait3A_545 : memref<16x1024xf32, #tpu.memory_space<hbm>>)
    %dma_start3A_546 = arith.constant 240 : i32
    %dma_start3A_547 = tpu.memref_slice %arg5[%dma_start3A_546] : memref<384xi32, #tpu.memory_space<vmem>> -> memref<16xi32, #tpu.memory_space<vmem>>
    %dma_start3A_548 = arith.constant 0 : i32
    %dma_start3A_549 = arith.constant 0 : i32
    %dma_start3A_550 = tpu.memref_slice %arg2[%dma_start3A_548, %dma_start3A_549] : memref<16384x1024xf32, #tpu.memory_space<hbm>> -> memref<16384x1024xf32, #tpu.memory_space<hbm>>
    tpu.enqueue_indirect_dma source(%dma_start3A_550 : memref<16384x1024xf32, #tpu.memory_space<hbm>>) target(%arg9 : memref<16x1024xf32, #tpu.memory_space<vmem>>) offsets(%dma_start3A_547 : memref<16xi32, #tpu.memory_space<vmem>>) semaphore(%arg12 : memref<!tpu.dma_semaphore, #tpu.memory_space<semaphore_mem>>)
    %dma_wait3A_551 = arith.constant 192 : i32
    %dma_wait3A_552 = tpu.memref_slice %arg5[%dma_wait3A_551] : memref<384xi32, #tpu.memory_space<vmem>> -> memref<16xi32, #tpu.memory_space<vmem>>
    %dma_wait3A_553 = arith.constant 0 : i32
    %dma_wait3A_554 = arith.constant 0 : i32
    %dma_wait3A_555 = tpu.memref_slice %arg2[%dma_wait3A_553, %dma_wait3A_554] : memref<16384x1024xf32, #tpu.memory_space<hbm>> -> memref<16384x1024xf32, #tpu.memory_space<hbm>>
    tpu.wait_indirect_dma semaphore(%arg12 : memref<!tpu.dma_semaphore, #tpu.memory_space<semaphore_mem>>) src(%dma_wait3A_555 : memref<16384x1024xf32, #tpu.memory_space<hbm>>) dst(%arg6 : memref<16x1024xf32, #tpu.memory_space<vmem>>)
    %mul3A_556 = arith.constant 128 : i32
    %mul3A_557 = arith.muli %add3A, %mul3A_556 : i32
    %add3A_558 = arith.constant 4096 : i32
    %add3A_559 = arith.addi %add3A_558, %mul3A_557 : i32
    %add3A_560 = arith.constant 64 : i32
    %add3A_561 = arith.addi %add3A_559, %add3A_560 : i32
    %multiple_of3A_562 = tpu.assume_multiple %add3A_561, 16 : i32
    %dma_start3A_563 = arith.constant 0 : i32
    %dma_start3A_564 = tpu.memref_slice %arg4[%multiple_of3A_562, %dma_start3A_563] : memref<12288x1024xf32, #tpu.memory_space<hbm>> -> memref<16x1024xf32, #tpu.memory_space<hbm>>
    %dma_start3A_565 = arith.constant 0 : i32
    %dma_start3A_566 = tpu.memref_slice %arg4[%multiple_of3A_562, %dma_start3A_565] : memref<12288x1024xf32, #tpu.memory_space<hbm>> -> memref<16x1024xf32, #tpu.memory_space<hbm>>
    tpu.enqueue_dma source(%arg6 : memref<16x1024xf32, #tpu.memory_space<vmem>>) target(%dma_start3A_566 : memref<16x1024xf32, #tpu.memory_space<hbm>>) target_semaphore(%arg13 : memref<!tpu.dma_semaphore, #tpu.memory_space<semaphore_mem>>)
    %dma_wait3A_567 = arith.constant 0 : i32
    %dma_wait3A_568 = tpu.memref_slice %arg4[%multiple_of3A_512, %dma_wait3A_567] : memref<12288x1024xf32, #tpu.memory_space<hbm>> -> memref<16x1024xf32, #tpu.memory_space<hbm>>
    %dma_wait3A_569 = arith.constant 0 : i32
    %dma_wait3A_570 = tpu.memref_slice %arg4[%multiple_of3A_512, %dma_wait3A_569] : memref<12288x1024xf32, #tpu.memory_space<hbm>> -> memref<16x1024xf32, #tpu.memory_space<hbm>>
    tpu.wait_dma2 semaphore(%arg13 : memref<!tpu.dma_semaphore, #tpu.memory_space<semaphore_mem>>) src(%arg10 : memref<16x1024xf32, #tpu.memory_space<vmem>>) dst(%dma_wait3A_570 : memref<16x1024xf32, #tpu.memory_space<hbm>>)
    %dma_start3A_571 = arith.constant 256 : i32
    %dma_start3A_572 = tpu.memref_slice %arg5[%dma_start3A_571] : memref<384xi32, #tpu.memory_space<vmem>> -> memref<16xi32, #tpu.memory_space<vmem>>
    %dma_start3A_573 = arith.constant 0 : i32
    %dma_start3A_574 = arith.constant 0 : i32
    %dma_start3A_575 = tpu.memref_slice %arg2[%dma_start3A_573, %dma_start3A_574] : memref<16384x1024xf32, #tpu.memory_space<hbm>> -> memref<16384x1024xf32, #tpu.memory_space<hbm>>
    tpu.enqueue_indirect_dma source(%dma_start3A_575 : memref<16384x1024xf32, #tpu.memory_space<hbm>>) target(%arg10 : memref<16x1024xf32, #tpu.memory_space<vmem>>) offsets(%dma_start3A_572 : memref<16xi32, #tpu.memory_space<vmem>>) semaphore(%arg12 : memref<!tpu.dma_semaphore, #tpu.memory_space<semaphore_mem>>)
    %dma_wait3A_576 = arith.constant 208 : i32
    %dma_wait3A_577 = tpu.memref_slice %arg5[%dma_wait3A_576] : memref<384xi32, #tpu.memory_space<vmem>> -> memref<16xi32, #tpu.memory_space<vmem>>
    %dma_wait3A_578 = arith.constant 0 : i32
    %dma_wait3A_579 = arith.constant 0 : i32
    %dma_wait3A_580 = tpu.memref_slice %arg2[%dma_wait3A_578, %dma_wait3A_579] : memref<16384x1024xf32, #tpu.memory_space<hbm>> -> memref<16384x1024xf32, #tpu.memory_space<hbm>>
    tpu.wait_indirect_dma semaphore(%arg12 : memref<!tpu.dma_semaphore, #tpu.memory_space<semaphore_mem>>) src(%dma_wait3A_580 : memref<16384x1024xf32, #tpu.memory_space<hbm>>) dst(%arg7 : memref<16x1024xf32, #tpu.memory_space<vmem>>)
    %mul3A_581 = arith.constant 128 : i32
    %mul3A_582 = arith.muli %add3A, %mul3A_581 : i32
    %add3A_583 = arith.constant 4096 : i32
    %add3A_584 = arith.addi %add3A_583, %mul3A_582 : i32
    %add3A_585 = arith.constant 80 : i32
    %add3A_586 = arith.addi %add3A_584, %add3A_585 : i32
    %multiple_of3A_587 = tpu.assume_multiple %add3A_586, 16 : i32
    %dma_start3A_588 = arith.constant 0 : i32
    %dma_start3A_589 = tpu.memref_slice %arg4[%multiple_of3A_587, %dma_start3A_588] : memref<12288x1024xf32, #tpu.memory_space<hbm>> -> memref<16x1024xf32, #tpu.memory_space<hbm>>
    %dma_start3A_590 = arith.constant 0 : i32
    %dma_start3A_591 = tpu.memref_slice %arg4[%multiple_of3A_587, %dma_start3A_590] : memref<12288x1024xf32, #tpu.memory_space<hbm>> -> memref<16x1024xf32, #tpu.memory_space<hbm>>
    tpu.enqueue_dma source(%arg7 : memref<16x1024xf32, #tpu.memory_space<vmem>>) target(%dma_start3A_591 : memref<16x1024xf32, #tpu.memory_space<hbm>>) target_semaphore(%arg13 : memref<!tpu.dma_semaphore, #tpu.memory_space<semaphore_mem>>)
    %dma_wait3A_592 = arith.constant 0 : i32
    %dma_wait3A_593 = tpu.memref_slice %arg4[%multiple_of3A_537, %dma_wait3A_592] : memref<12288x1024xf32, #tpu.memory_space<hbm>> -> memref<16x1024xf32, #tpu.memory_space<hbm>>
    %dma_wait3A_594 = arith.constant 0 : i32
    %dma_wait3A_595 = tpu.memref_slice %arg4[%multiple_of3A_537, %dma_wait3A_594] : memref<12288x1024xf32, #tpu.memory_space<hbm>> -> memref<16x1024xf32, #tpu.memory_space<hbm>>
    tpu.wait_dma2 semaphore(%arg13 : memref<!tpu.dma_semaphore, #tpu.memory_space<semaphore_mem>>) src(%arg11 : memref<16x1024xf32, #tpu.memory_space<vmem>>) dst(%dma_wait3A_595 : memref<16x1024xf32, #tpu.memory_space<hbm>>)
    %dma_start3A_596 = arith.constant 272 : i32
    %dma_start3A_597 = tpu.memref_slice %arg5[%dma_start3A_596] : memref<384xi32, #tpu.memory_space<vmem>> -> memref<16xi32, #tpu.memory_space<vmem>>
    %dma_start3A_598 = arith.constant 0 : i32
    %dma_start3A_599 = arith.constant 0 : i32
    %dma_start3A_600 = tpu.memref_slice %arg2[%dma_start3A_598, %dma_start3A_599] : memref<16384x1024xf32, #tpu.memory_space<hbm>> -> memref<16384x1024xf32, #tpu.memory_space<hbm>>
    tpu.enqueue_indirect_dma source(%dma_start3A_600 : memref<16384x1024xf32, #tpu.memory_space<hbm>>) target(%arg11 : memref<16x1024xf32, #tpu.memory_space<vmem>>) offsets(%dma_start3A_597 : memref<16xi32, #tpu.memory_space<vmem>>) semaphore(%arg12 : memref<!tpu.dma_semaphore, #tpu.memory_space<semaphore_mem>>)
    %dma_wait3A_601 = arith.constant 224 : i32
    %dma_wait3A_602 = tpu.memref_slice %arg5[%dma_wait3A_601] : memref<384xi32, #tpu.memory_space<vmem>> -> memref<16xi32, #tpu.memory_space<vmem>>
    %dma_wait3A_603 = arith.constant 0 : i32
    %dma_wait3A_604 = arith.constant 0 : i32
    %dma_wait3A_605 = tpu.memref_slice %arg2[%dma_wait3A_603, %dma_wait3A_604] : memref<16384x1024xf32, #tpu.memory_space<hbm>> -> memref<16384x1024xf32, #tpu.memory_space<hbm>>
    tpu.wait_indirect_dma semaphore(%arg12 : memref<!tpu.dma_semaphore, #tpu.memory_space<semaphore_mem>>) src(%dma_wait3A_605 : memref<16384x1024xf32, #tpu.memory_space<hbm>>) dst(%arg8 : memref<16x1024xf32, #tpu.memory_space<vmem>>)
    %mul3A_606 = arith.constant 128 : i32
    %mul3A_607 = arith.muli %add3A, %mul3A_606 : i32
    %add3A_608 = arith.constant 4096 : i32
    %add3A_609 = arith.addi %add3A_608, %mul3A_607 : i32
    %add3A_610 = arith.constant 96 : i32
    %add3A_611 = arith.addi %add3A_609, %add3A_610 : i32
    %multiple_of3A_612 = tpu.assume_multiple %add3A_611, 16 : i32
    %dma_start3A_613 = arith.constant 0 : i32
    %dma_start3A_614 = tpu.memref_slice %arg4[%multiple_of3A_612, %dma_start3A_613] : memref<12288x1024xf32, #tpu.memory_space<hbm>> -> memref<16x1024xf32, #tpu.memory_space<hbm>>
    %dma_start3A_615 = arith.constant 0 : i32
    %dma_start3A_616 = tpu.memref_slice %arg4[%multiple_of3A_612, %dma_start3A_615] : memref<12288x1024xf32, #tpu.memory_space<hbm>> -> memref<16x1024xf32, #tpu.memory_space<hbm>>
    tpu.enqueue_dma source(%arg8 : memref<16x1024xf32, #tpu.memory_space<vmem>>) target(%dma_start3A_616 : memref<16x1024xf32, #tpu.memory_space<hbm>>) target_semaphore(%arg13 : memref<!tpu.dma_semaphore, #tpu.memory_space<semaphore_mem>>)
    %dma_wait3A_617 = arith.constant 0 : i32
    %dma_wait3A_618 = tpu.memref_slice %arg4[%multiple_of3A_562, %dma_wait3A_617] : memref<12288x1024xf32, #tpu.memory_space<hbm>> -> memref<16x1024xf32, #tpu.memory_space<hbm>>
    %dma_wait3A_619 = arith.constant 0 : i32
    %dma_wait3A_620 = tpu.memref_slice %arg4[%multiple_of3A_562, %dma_wait3A_619] : memref<12288x1024xf32, #tpu.memory_space<hbm>> -> memref<16x1024xf32, #tpu.memory_space<hbm>>
    tpu.wait_dma2 semaphore(%arg13 : memref<!tpu.dma_semaphore, #tpu.memory_space<semaphore_mem>>) src(%arg6 : memref<16x1024xf32, #tpu.memory_space<vmem>>) dst(%dma_wait3A_620 : memref<16x1024xf32, #tpu.memory_space<hbm>>)
    %dma_start3A_621 = arith.constant 288 : i32
    %dma_start3A_622 = tpu.memref_slice %arg5[%dma_start3A_621] : memref<384xi32, #tpu.memory_space<vmem>> -> memref<16xi32, #tpu.memory_space<vmem>>
    %dma_start3A_623 = arith.constant 0 : i32
    %dma_start3A_624 = arith.constant 0 : i32
    %dma_start3A_625 = tpu.memref_slice %arg2[%dma_start3A_623, %dma_start3A_624] : memref<16384x1024xf32, #tpu.memory_space<hbm>> -> memref<16384x1024xf32, #tpu.memory_space<hbm>>
    tpu.enqueue_indirect_dma source(%dma_start3A_625 : memref<16384x1024xf32, #tpu.memory_space<hbm>>) target(%arg6 : memref<16x1024xf32, #tpu.memory_space<vmem>>) offsets(%dma_start3A_622 : memref<16xi32, #tpu.memory_space<vmem>>) semaphore(%arg12 : memref<!tpu.dma_semaphore, #tpu.memory_space<semaphore_mem>>)
    %dma_wait3A_626 = arith.constant 240 : i32
    %dma_wait3A_627 = tpu.memref_slice %arg5[%dma_wait3A_626] : memref<384xi32, #tpu.memory_space<vmem>> -> memref<16xi32, #tpu.memory_space<vmem>>
    %dma_wait3A_628 = arith.constant 0 : i32
    %dma_wait3A_629 = arith.constant 0 : i32
    %dma_wait3A_630 = tpu.memref_slice %arg2[%dma_wait3A_628, %dma_wait3A_629] : memref<16384x1024xf32, #tpu.memory_space<hbm>> -> memref<16384x1024xf32, #tpu.memory_space<hbm>>
    tpu.wait_indirect_dma semaphore(%arg12 : memref<!tpu.dma_semaphore, #tpu.memory_space<semaphore_mem>>) src(%dma_wait3A_630 : memref<16384x1024xf32, #tpu.memory_space<hbm>>) dst(%arg9 : memref<16x1024xf32, #tpu.memory_space<vmem>>)
    %mul3A_631 = arith.constant 128 : i32
    %mul3A_632 = arith.muli %add3A, %mul3A_631 : i32
    %add3A_633 = arith.constant 4096 : i32
    %add3A_634 = arith.addi %add3A_633, %mul3A_632 : i32
    %add3A_635 = arith.constant 112 : i32
    %add3A_636 = arith.addi %add3A_634, %add3A_635 : i32
    %multiple_of3A_637 = tpu.assume_multiple %add3A_636, 16 : i32
    %dma_start3A_638 = arith.constant 0 : i32
    %dma_start3A_639 = tpu.memref_slice %arg4[%multiple_of3A_637, %dma_start3A_638] : memref<12288x1024xf32, #tpu.memory_space<hbm>> -> memref<16x1024xf32, #tpu.memory_space<hbm>>
    %dma_start3A_640 = arith.constant 0 : i32
    %dma_start3A_641 = tpu.memref_slice %arg4[%multiple_of3A_637, %dma_start3A_640] : memref<12288x1024xf32, #tpu.memory_space<hbm>> -> memref<16x1024xf32, #tpu.memory_space<hbm>>
    tpu.enqueue_dma source(%arg9 : memref<16x1024xf32, #tpu.memory_space<vmem>>) target(%dma_start3A_641 : memref<16x1024xf32, #tpu.memory_space<hbm>>) target_semaphore(%arg13 : memref<!tpu.dma_semaphore, #tpu.memory_space<semaphore_mem>>)
    %dma_wait3A_642 = arith.constant 0 : i32
    %dma_wait3A_643 = tpu.memref_slice %arg4[%multiple_of3A_587, %dma_wait3A_642] : memref<12288x1024xf32, #tpu.memory_space<hbm>> -> memref<16x1024xf32, #tpu.memory_space<hbm>>
    %dma_wait3A_644 = arith.constant 0 : i32
    %dma_wait3A_645 = tpu.memref_slice %arg4[%multiple_of3A_587, %dma_wait3A_644] : memref<12288x1024xf32, #tpu.memory_space<hbm>> -> memref<16x1024xf32, #tpu.memory_space<hbm>>
    tpu.wait_dma2 semaphore(%arg13 : memref<!tpu.dma_semaphore, #tpu.memory_space<semaphore_mem>>) src(%arg7 : memref<16x1024xf32, #tpu.memory_space<vmem>>) dst(%dma_wait3A_645 : memref<16x1024xf32, #tpu.memory_space<hbm>>)
    %dma_start3A_646 = arith.constant 304 : i32
    %dma_start3A_647 = tpu.memref_slice %arg5[%dma_start3A_646] : memref<384xi32, #tpu.memory_space<vmem>> -> memref<16xi32, #tpu.memory_space<vmem>>
    %dma_start3A_648 = arith.constant 0 : i32
    %dma_start3A_649 = arith.constant 0 : i32
    %dma_start3A_650 = tpu.memref_slice %arg2[%dma_start3A_648, %dma_start3A_649] : memref<16384x1024xf32, #tpu.memory_space<hbm>> -> memref<16384x1024xf32, #tpu.memory_space<hbm>>
    tpu.enqueue_indirect_dma source(%dma_start3A_650 : memref<16384x1024xf32, #tpu.memory_space<hbm>>) target(%arg7 : memref<16x1024xf32, #tpu.memory_space<vmem>>) offsets(%dma_start3A_647 : memref<16xi32, #tpu.memory_space<vmem>>) semaphore(%arg12 : memref<!tpu.dma_semaphore, #tpu.memory_space<semaphore_mem>>)
    %dma_wait3A_651 = arith.constant 256 : i32
    %dma_wait3A_652 = tpu.memref_slice %arg5[%dma_wait3A_651] : memref<384xi32, #tpu.memory_space<vmem>> -> memref<16xi32, #tpu.memory_space<vmem>>
    %dma_wait3A_653 = arith.constant 0 : i32
    %dma_wait3A_654 = arith.constant 0 : i32
    %dma_wait3A_655 = tpu.memref_slice %arg2[%dma_wait3A_653, %dma_wait3A_654] : memref<16384x1024xf32, #tpu.memory_space<hbm>> -> memref<16384x1024xf32, #tpu.memory_space<hbm>>
    tpu.wait_indirect_dma semaphore(%arg12 : memref<!tpu.dma_semaphore, #tpu.memory_space<semaphore_mem>>) src(%dma_wait3A_655 : memref<16384x1024xf32, #tpu.memory_space<hbm>>) dst(%arg10 : memref<16x1024xf32, #tpu.memory_space<vmem>>)
    %mul3A_656 = arith.constant 128 : i32
    %mul3A_657 = arith.muli %add3A, %mul3A_656 : i32
    %add3A_658 = arith.constant 8192 : i32
    %add3A_659 = arith.addi %add3A_658, %mul3A_657 : i32
    %add3A_660 = arith.constant 0 : i32
    %add3A_661 = arith.addi %add3A_659, %add3A_660 : i32
    %multiple_of3A_662 = tpu.assume_multiple %add3A_661, 16 : i32
    %dma_start3A_663 = arith.constant 0 : i32
    %dma_start3A_664 = tpu.memref_slice %arg4[%multiple_of3A_662, %dma_start3A_663] : memref<12288x1024xf32, #tpu.memory_space<hbm>> -> memref<16x1024xf32, #tpu.memory_space<hbm>>
    %dma_start3A_665 = arith.constant 0 : i32
    %dma_start3A_666 = tpu.memref_slice %arg4[%multiple_of3A_662, %dma_start3A_665] : memref<12288x1024xf32, #tpu.memory_space<hbm>> -> memref<16x1024xf32, #tpu.memory_space<hbm>>
    tpu.enqueue_dma source(%arg10 : memref<16x1024xf32, #tpu.memory_space<vmem>>) target(%dma_start3A_666 : memref<16x1024xf32, #tpu.memory_space<hbm>>) target_semaphore(%arg13 : memref<!tpu.dma_semaphore, #tpu.memory_space<semaphore_mem>>)
    %dma_wait3A_667 = arith.constant 0 : i32
    %dma_wait3A_668 = tpu.memref_slice %arg4[%multiple_of3A_612, %dma_wait3A_667] : memref<12288x1024xf32, #tpu.memory_space<hbm>> -> memref<16x1024xf32, #tpu.memory_space<hbm>>
    %dma_wait3A_669 = arith.constant 0 : i32
    %dma_wait3A_670 = tpu.memref_slice %arg4[%multiple_of3A_612, %dma_wait3A_669] : memref<12288x1024xf32, #tpu.memory_space<hbm>> -> memref<16x1024xf32, #tpu.memory_space<hbm>>
    tpu.wait_dma2 semaphore(%arg13 : memref<!tpu.dma_semaphore, #tpu.memory_space<semaphore_mem>>) src(%arg8 : memref<16x1024xf32, #tpu.memory_space<vmem>>) dst(%dma_wait3A_670 : memref<16x1024xf32, #tpu.memory_space<hbm>>)
    %dma_start3A_671 = arith.constant 320 : i32
    %dma_start3A_672 = tpu.memref_slice %arg5[%dma_start3A_671] : memref<384xi32, #tpu.memory_space<vmem>> -> memref<16xi32, #tpu.memory_space<vmem>>
    %dma_start3A_673 = arith.constant 0 : i32
    %dma_start3A_674 = arith.constant 0 : i32
    %dma_start3A_675 = tpu.memref_slice %arg2[%dma_start3A_673, %dma_start3A_674] : memref<16384x1024xf32, #tpu.memory_space<hbm>> -> memref<16384x1024xf32, #tpu.memory_space<hbm>>
    tpu.enqueue_indirect_dma source(%dma_start3A_675 : memref<16384x1024xf32, #tpu.memory_space<hbm>>) target(%arg8 : memref<16x1024xf32, #tpu.memory_space<vmem>>) offsets(%dma_start3A_672 : memref<16xi32, #tpu.memory_space<vmem>>) semaphore(%arg12 : memref<!tpu.dma_semaphore, #tpu.memory_space<semaphore_mem>>)
    %dma_wait3A_676 = arith.constant 272 : i32
    %dma_wait3A_677 = tpu.memref_slice %arg5[%dma_wait3A_676] : memref<384xi32, #tpu.memory_space<vmem>> -> memref<16xi32, #tpu.memory_space<vmem>>
    %dma_wait3A_678 = arith.constant 0 : i32
    %dma_wait3A_679 = arith.constant 0 : i32
    %dma_wait3A_680 = tpu.memref_slice %arg2[%dma_wait3A_678, %dma_wait3A_679] : memref<16384x1024xf32, #tpu.memory_space<hbm>> -> memref<16384x1024xf32, #tpu.memory_space<hbm>>
    tpu.wait_indirect_dma semaphore(%arg12 : memref<!tpu.dma_semaphore, #tpu.memory_space<semaphore_mem>>) src(%dma_wait3A_680 : memref<16384x1024xf32, #tpu.memory_space<hbm>>) dst(%arg11 : memref<16x1024xf32, #tpu.memory_space<vmem>>)
    %mul3A_681 = arith.constant 128 : i32
    %mul3A_682 = arith.muli %add3A, %mul3A_681 : i32
    %add3A_683 = arith.constant 8192 : i32
    %add3A_684 = arith.addi %add3A_683, %mul3A_682 : i32
    %add3A_685 = arith.constant 16 : i32
    %add3A_686 = arith.addi %add3A_684, %add3A_685 : i32
    %multiple_of3A_687 = tpu.assume_multiple %add3A_686, 16 : i32
    %dma_start3A_688 = arith.constant 0 : i32
    %dma_start3A_689 = tpu.memref_slice %arg4[%multiple_of3A_687, %dma_start3A_688] : memref<12288x1024xf32, #tpu.memory_space<hbm>> -> memref<16x1024xf32, #tpu.memory_space<hbm>>
    %dma_start3A_690 = arith.constant 0 : i32
    %dma_start3A_691 = tpu.memref_slice %arg4[%multiple_of3A_687, %dma_start3A_690] : memref<12288x1024xf32, #tpu.memory_space<hbm>> -> memref<16x1024xf32, #tpu.memory_space<hbm>>
    tpu.enqueue_dma source(%arg11 : memref<16x1024xf32, #tpu.memory_space<vmem>>) target(%dma_start3A_691 : memref<16x1024xf32, #tpu.memory_space<hbm>>) target_semaphore(%arg13 : memref<!tpu.dma_semaphore, #tpu.memory_space<semaphore_mem>>)
    %dma_wait3A_692 = arith.constant 0 : i32
    %dma_wait3A_693 = tpu.memref_slice %arg4[%multiple_of3A_637, %dma_wait3A_692] : memref<12288x1024xf32, #tpu.memory_space<hbm>> -> memref<16x1024xf32, #tpu.memory_space<hbm>>
    %dma_wait3A_694 = arith.constant 0 : i32
    %dma_wait3A_695 = tpu.memref_slice %arg4[%multiple_of3A_637, %dma_wait3A_694] : memref<12288x1024xf32, #tpu.memory_space<hbm>> -> memref<16x1024xf32, #tpu.memory_space<hbm>>
    tpu.wait_dma2 semaphore(%arg13 : memref<!tpu.dma_semaphore, #tpu.memory_space<semaphore_mem>>) src(%arg9 : memref<16x1024xf32, #tpu.memory_space<vmem>>) dst(%dma_wait3A_695 : memref<16x1024xf32, #tpu.memory_space<hbm>>)
    %dma_start3A_696 = arith.constant 336 : i32
    %dma_start3A_697 = tpu.memref_slice %arg5[%dma_start3A_696] : memref<384xi32, #tpu.memory_space<vmem>> -> memref<16xi32, #tpu.memory_space<vmem>>
    %dma_start3A_698 = arith.constant 0 : i32
    %dma_start3A_699 = arith.constant 0 : i32
    %dma_start3A_700 = tpu.memref_slice %arg2[%dma_start3A_698, %dma_start3A_699] : memref<16384x1024xf32, #tpu.memory_space<hbm>> -> memref<16384x1024xf32, #tpu.memory_space<hbm>>
    tpu.enqueue_indirect_dma source(%dma_start3A_700 : memref<16384x1024xf32, #tpu.memory_space<hbm>>) target(%arg9 : memref<16x1024xf32, #tpu.memory_space<vmem>>) offsets(%dma_start3A_697 : memref<16xi32, #tpu.memory_space<vmem>>) semaphore(%arg12 : memref<!tpu.dma_semaphore, #tpu.memory_space<semaphore_mem>>)
    %dma_wait3A_701 = arith.constant 288 : i32
    %dma_wait3A_702 = tpu.memref_slice %arg5[%dma_wait3A_701] : memref<384xi32, #tpu.memory_space<vmem>> -> memref<16xi32, #tpu.memory_space<vmem>>
    %dma_wait3A_703 = arith.constant 0 : i32
    %dma_wait3A_704 = arith.constant 0 : i32
    %dma_wait3A_705 = tpu.memref_slice %arg2[%dma_wait3A_703, %dma_wait3A_704] : memref<16384x1024xf32, #tpu.memory_space<hbm>> -> memref<16384x1024xf32, #tpu.memory_space<hbm>>
    tpu.wait_indirect_dma semaphore(%arg12 : memref<!tpu.dma_semaphore, #tpu.memory_space<semaphore_mem>>) src(%dma_wait3A_705 : memref<16384x1024xf32, #tpu.memory_space<hbm>>) dst(%arg6 : memref<16x1024xf32, #tpu.memory_space<vmem>>)
    %mul3A_706 = arith.constant 128 : i32
    %mul3A_707 = arith.muli %add3A, %mul3A_706 : i32
    %add3A_708 = arith.constant 8192 : i32
    %add3A_709 = arith.addi %add3A_708, %mul3A_707 : i32
    %add3A_710 = arith.constant 32 : i32
    %add3A_711 = arith.addi %add3A_709, %add3A_710 : i32
    %multiple_of3A_712 = tpu.assume_multiple %add3A_711, 16 : i32
    %dma_start3A_713 = arith.constant 0 : i32
    %dma_start3A_714 = tpu.memref_slice %arg4[%multiple_of3A_712, %dma_start3A_713] : memref<12288x1024xf32, #tpu.memory_space<hbm>> -> memref<16x1024xf32, #tpu.memory_space<hbm>>
    %dma_start3A_715 = arith.constant 0 : i32
    %dma_start3A_716 = tpu.memref_slice %arg4[%multiple_of3A_712, %dma_start3A_715] : memref<12288x1024xf32, #tpu.memory_space<hbm>> -> memref<16x1024xf32, #tpu.memory_space<hbm>>
    tpu.enqueue_dma source(%arg6 : memref<16x1024xf32, #tpu.memory_space<vmem>>) target(%dma_start3A_716 : memref<16x1024xf32, #tpu.memory_space<hbm>>) target_semaphore(%arg13 : memref<!tpu.dma_semaphore, #tpu.memory_space<semaphore_mem>>)
    %dma_wait3A_717 = arith.constant 0 : i32
    %dma_wait3A_718 = tpu.memref_slice %arg4[%multiple_of3A_662, %dma_wait3A_717] : memref<12288x1024xf32, #tpu.memory_space<hbm>> -> memref<16x1024xf32, #tpu.memory_space<hbm>>
    %dma_wait3A_719 = arith.constant 0 : i32
    %dma_wait3A_720 = tpu.memref_slice %arg4[%multiple_of3A_662, %dma_wait3A_719] : memref<12288x1024xf32, #tpu.memory_space<hbm>> -> memref<16x1024xf32, #tpu.memory_space<hbm>>
    tpu.wait_dma2 semaphore(%arg13 : memref<!tpu.dma_semaphore, #tpu.memory_space<semaphore_mem>>) src(%arg10 : memref<16x1024xf32, #tpu.memory_space<vmem>>) dst(%dma_wait3A_720 : memref<16x1024xf32, #tpu.memory_space<hbm>>)
    %dma_start3A_721 = arith.constant 352 : i32
    %dma_start3A_722 = tpu.memref_slice %arg5[%dma_start3A_721] : memref<384xi32, #tpu.memory_space<vmem>> -> memref<16xi32, #tpu.memory_space<vmem>>
    %dma_start3A_723 = arith.constant 0 : i32
    %dma_start3A_724 = arith.constant 0 : i32
    %dma_start3A_725 = tpu.memref_slice %arg2[%dma_start3A_723, %dma_start3A_724] : memref<16384x1024xf32, #tpu.memory_space<hbm>> -> memref<16384x1024xf32, #tpu.memory_space<hbm>>
    tpu.enqueue_indirect_dma source(%dma_start3A_725 : memref<16384x1024xf32, #tpu.memory_space<hbm>>) target(%arg10 : memref<16x1024xf32, #tpu.memory_space<vmem>>) offsets(%dma_start3A_722 : memref<16xi32, #tpu.memory_space<vmem>>) semaphore(%arg12 : memref<!tpu.dma_semaphore, #tpu.memory_space<semaphore_mem>>)
    %dma_wait3A_726 = arith.constant 304 : i32
    %dma_wait3A_727 = tpu.memref_slice %arg5[%dma_wait3A_726] : memref<384xi32, #tpu.memory_space<vmem>> -> memref<16xi32, #tpu.memory_space<vmem>>
    %dma_wait3A_728 = arith.constant 0 : i32
    %dma_wait3A_729 = arith.constant 0 : i32
    %dma_wait3A_730 = tpu.memref_slice %arg2[%dma_wait3A_728, %dma_wait3A_729] : memref<16384x1024xf32, #tpu.memory_space<hbm>> -> memref<16384x1024xf32, #tpu.memory_space<hbm>>
    tpu.wait_indirect_dma semaphore(%arg12 : memref<!tpu.dma_semaphore, #tpu.memory_space<semaphore_mem>>) src(%dma_wait3A_730 : memref<16384x1024xf32, #tpu.memory_space<hbm>>) dst(%arg7 : memref<16x1024xf32, #tpu.memory_space<vmem>>)
    %mul3A_731 = arith.constant 128 : i32
    %mul3A_732 = arith.muli %add3A, %mul3A_731 : i32
    %add3A_733 = arith.constant 8192 : i32
    %add3A_734 = arith.addi %add3A_733, %mul3A_732 : i32
    %add3A_735 = arith.constant 48 : i32
    %add3A_736 = arith.addi %add3A_734, %add3A_735 : i32
    %multiple_of3A_737 = tpu.assume_multiple %add3A_736, 16 : i32
    %dma_start3A_738 = arith.constant 0 : i32
    %dma_start3A_739 = tpu.memref_slice %arg4[%multiple_of3A_737, %dma_start3A_738] : memref<12288x1024xf32, #tpu.memory_space<hbm>> -> memref<16x1024xf32, #tpu.memory_space<hbm>>
    %dma_start3A_740 = arith.constant 0 : i32
    %dma_start3A_741 = tpu.memref_slice %arg4[%multiple_of3A_737, %dma_start3A_740] : memref<12288x1024xf32, #tpu.memory_space<hbm>> -> memref<16x1024xf32, #tpu.memory_space<hbm>>
    tpu.enqueue_dma source(%arg7 : memref<16x1024xf32, #tpu.memory_space<vmem>>) target(%dma_start3A_741 : memref<16x1024xf32, #tpu.memory_space<hbm>>) target_semaphore(%arg13 : memref<!tpu.dma_semaphore, #tpu.memory_space<semaphore_mem>>)
    %dma_wait3A_742 = arith.constant 0 : i32
    %dma_wait3A_743 = tpu.memref_slice %arg4[%multiple_of3A_687, %dma_wait3A_742] : memref<12288x1024xf32, #tpu.memory_space<hbm>> -> memref<16x1024xf32, #tpu.memory_space<hbm>>
    %dma_wait3A_744 = arith.constant 0 : i32
    %dma_wait3A_745 = tpu.memref_slice %arg4[%multiple_of3A_687, %dma_wait3A_744] : memref<12288x1024xf32, #tpu.memory_space<hbm>> -> memref<16x1024xf32, #tpu.memory_space<hbm>>
    tpu.wait_dma2 semaphore(%arg13 : memref<!tpu.dma_semaphore, #tpu.memory_space<semaphore_mem>>) src(%arg11 : memref<16x1024xf32, #tpu.memory_space<vmem>>) dst(%dma_wait3A_745 : memref<16x1024xf32, #tpu.memory_space<hbm>>)
    %dma_start3A_746 = arith.constant 368 : i32
    %dma_start3A_747 = tpu.memref_slice %arg5[%dma_start3A_746] : memref<384xi32, #tpu.memory_space<vmem>> -> memref<16xi32, #tpu.memory_space<vmem>>
    %dma_start3A_748 = arith.constant 0 : i32
    %dma_start3A_749 = arith.constant 0 : i32
    %dma_start3A_750 = tpu.memref_slice %arg2[%dma_start3A_748, %dma_start3A_749] : memref<16384x1024xf32, #tpu.memory_space<hbm>> -> memref<16384x1024xf32, #tpu.memory_space<hbm>>
    tpu.enqueue_indirect_dma source(%dma_start3A_750 : memref<16384x1024xf32, #tpu.memory_space<hbm>>) target(%arg11 : memref<16x1024xf32, #tpu.memory_space<vmem>>) offsets(%dma_start3A_747 : memref<16xi32, #tpu.memory_space<vmem>>) semaphore(%arg12 : memref<!tpu.dma_semaphore, #tpu.memory_space<semaphore_mem>>)
    %dma_wait3A_751 = arith.constant 320 : i32
    %dma_wait3A_752 = tpu.memref_slice %arg5[%dma_wait3A_751] : memref<384xi32, #tpu.memory_space<vmem>> -> memref<16xi32, #tpu.memory_space<vmem>>
    %dma_wait3A_753 = arith.constant 0 : i32
    %dma_wait3A_754 = arith.constant 0 : i32
    %dma_wait3A_755 = tpu.memref_slice %arg2[%dma_wait3A_753, %dma_wait3A_754] : memref<16384x1024xf32, #tpu.memory_space<hbm>> -> memref<16384x1024xf32, #tpu.memory_space<hbm>>
    tpu.wait_indirect_dma semaphore(%arg12 : memref<!tpu.dma_semaphore, #tpu.memory_space<semaphore_mem>>) src(%dma_wait3A_755 : memref<16384x1024xf32, #tpu.memory_space<hbm>>) dst(%arg8 : memref<16x1024xf32, #tpu.memory_space<vmem>>)
    %mul3A_756 = arith.constant 128 : i32
    %mul3A_757 = arith.muli %add3A, %mul3A_756 : i32
    %add3A_758 = arith.constant 8192 : i32
    %add3A_759 = arith.addi %add3A_758, %mul3A_757 : i32
    %add3A_760 = arith.constant 64 : i32
    %add3A_761 = arith.addi %add3A_759, %add3A_760 : i32
    %multiple_of3A_762 = tpu.assume_multiple %add3A_761, 16 : i32
    %dma_start3A_763 = arith.constant 0 : i32
    %dma_start3A_764 = tpu.memref_slice %arg4[%multiple_of3A_762, %dma_start3A_763] : memref<12288x1024xf32, #tpu.memory_space<hbm>> -> memref<16x1024xf32, #tpu.memory_space<hbm>>
    %dma_start3A_765 = arith.constant 0 : i32
    %dma_start3A_766 = tpu.memref_slice %arg4[%multiple_of3A_762, %dma_start3A_765] : memref<12288x1024xf32, #tpu.memory_space<hbm>> -> memref<16x1024xf32, #tpu.memory_space<hbm>>
    tpu.enqueue_dma source(%arg8 : memref<16x1024xf32, #tpu.memory_space<vmem>>) target(%dma_start3A_766 : memref<16x1024xf32, #tpu.memory_space<hbm>>) target_semaphore(%arg13 : memref<!tpu.dma_semaphore, #tpu.memory_space<semaphore_mem>>)
    %dma_wait3A_767 = arith.constant 336 : i32
    %dma_wait3A_768 = tpu.memref_slice %arg5[%dma_wait3A_767] : memref<384xi32, #tpu.memory_space<vmem>> -> memref<16xi32, #tpu.memory_space<vmem>>
    %dma_wait3A_769 = arith.constant 0 : i32
    %dma_wait3A_770 = arith.constant 0 : i32
    %dma_wait3A_771 = tpu.memref_slice %arg2[%dma_wait3A_769, %dma_wait3A_770] : memref<16384x1024xf32, #tpu.memory_space<hbm>> -> memref<16384x1024xf32, #tpu.memory_space<hbm>>
    tpu.wait_indirect_dma semaphore(%arg12 : memref<!tpu.dma_semaphore, #tpu.memory_space<semaphore_mem>>) src(%dma_wait3A_771 : memref<16384x1024xf32, #tpu.memory_space<hbm>>) dst(%arg9 : memref<16x1024xf32, #tpu.memory_space<vmem>>)
    %mul3A_772 = arith.constant 128 : i32
    %mul3A_773 = arith.muli %add3A, %mul3A_772 : i32
    %add3A_774 = arith.constant 8192 : i32
    %add3A_775 = arith.addi %add3A_774, %mul3A_773 : i32
    %add3A_776 = arith.constant 80 : i32
    %add3A_777 = arith.addi %add3A_775, %add3A_776 : i32
    %multiple_of3A_778 = tpu.assume_multiple %add3A_777, 16 : i32
    %dma_start3A_779 = arith.constant 0 : i32
    %dma_start3A_780 = tpu.memref_slice %arg4[%multiple_of3A_778, %dma_start3A_779] : memref<12288x1024xf32, #tpu.memory_space<hbm>> -> memref<16x1024xf32, #tpu.memory_space<hbm>>
    %dma_start3A_781 = arith.constant 0 : i32
    %dma_start3A_782 = tpu.memref_slice %arg4[%multiple_of3A_778, %dma_start3A_781] : memref<12288x1024xf32, #tpu.memory_space<hbm>> -> memref<16x1024xf32, #tpu.memory_space<hbm>>
    tpu.enqueue_dma source(%arg9 : memref<16x1024xf32, #tpu.memory_space<vmem>>) target(%dma_start3A_782 : memref<16x1024xf32, #tpu.memory_space<hbm>>) target_semaphore(%arg13 : memref<!tpu.dma_semaphore, #tpu.memory_space<semaphore_mem>>)
    %dma_wait3A_783 = arith.constant 352 : i32
    %dma_wait3A_784 = tpu.memref_slice %arg5[%dma_wait3A_783] : memref<384xi32, #tpu.memory_space<vmem>> -> memref<16xi32, #tpu.memory_space<vmem>>
    %dma_wait3A_785 = arith.constant 0 : i32
    %dma_wait3A_786 = arith.constant 0 : i32
    %dma_wait3A_787 = tpu.memref_slice %arg2[%dma_wait3A_785, %dma_wait3A_786] : memref<16384x1024xf32, #tpu.memory_space<hbm>> -> memref<16384x1024xf32, #tpu.memory_space<hbm>>
    tpu.wait_indirect_dma semaphore(%arg12 : memref<!tpu.dma_semaphore, #tpu.memory_space<semaphore_mem>>) src(%dma_wait3A_787 : memref<16384x1024xf32, #tpu.memory_space<hbm>>) dst(%arg10 : memref<16x1024xf32, #tpu.memory_space<vmem>>)
    %mul3A_788 = arith.constant 128 : i32
    %mul3A_789 = arith.muli %add3A, %mul3A_788 : i32
    %add3A_790 = arith.constant 8192 : i32
    %add3A_791 = arith.addi %add3A_790, %mul3A_789 : i32
    %add3A_792 = arith.constant 96 : i32
    %add3A_793 = arith.addi %add3A_791, %add3A_792 : i32
    %multiple_of3A_794 = tpu.assume_multiple %add3A_793, 16 : i32
    %dma_start3A_795 = arith.constant 0 : i32
    %dma_start3A_796 = tpu.memref_slice %arg4[%multiple_of3A_794, %dma_start3A_795] : memref<12288x1024xf32, #tpu.memory_space<hbm>> -> memref<16x1024xf32, #tpu.memory_space<hbm>>
    %dma_start3A_797 = arith.constant 0 : i32
    %dma_start3A_798 = tpu.memref_slice %arg4[%multiple_of3A_794, %dma_start3A_797] : memref<12288x1024xf32, #tpu.memory_space<hbm>> -> memref<16x1024xf32, #tpu.memory_space<hbm>>
    tpu.enqueue_dma source(%arg10 : memref<16x1024xf32, #tpu.memory_space<vmem>>) target(%dma_start3A_798 : memref<16x1024xf32, #tpu.memory_space<hbm>>) target_semaphore(%arg13 : memref<!tpu.dma_semaphore, #tpu.memory_space<semaphore_mem>>)
    %dma_wait3A_799 = arith.constant 368 : i32
    %dma_wait3A_800 = tpu.memref_slice %arg5[%dma_wait3A_799] : memref<384xi32, #tpu.memory_space<vmem>> -> memref<16xi32, #tpu.memory_space<vmem>>
    %dma_wait3A_801 = arith.constant 0 : i32
    %dma_wait3A_802 = arith.constant 0 : i32
    %dma_wait3A_803 = tpu.memref_slice %arg2[%dma_wait3A_801, %dma_wait3A_802] : memref<16384x1024xf32, #tpu.memory_space<hbm>> -> memref<16384x1024xf32, #tpu.memory_space<hbm>>
    tpu.wait_indirect_dma semaphore(%arg12 : memref<!tpu.dma_semaphore, #tpu.memory_space<semaphore_mem>>) src(%dma_wait3A_803 : memref<16384x1024xf32, #tpu.memory_space<hbm>>) dst(%arg11 : memref<16x1024xf32, #tpu.memory_space<vmem>>)
    %mul3A_804 = arith.constant 128 : i32
    %mul3A_805 = arith.muli %add3A, %mul3A_804 : i32
    %add3A_806 = arith.constant 8192 : i32
    %add3A_807 = arith.addi %add3A_806, %mul3A_805 : i32
    %add3A_808 = arith.constant 112 : i32
    %add3A_809 = arith.addi %add3A_807, %add3A_808 : i32
    %multiple_of3A_810 = tpu.assume_multiple %add3A_809, 16 : i32
    %dma_start3A_811 = arith.constant 0 : i32
    %dma_start3A_812 = tpu.memref_slice %arg4[%multiple_of3A_810, %dma_start3A_811] : memref<12288x1024xf32, #tpu.memory_space<hbm>> -> memref<16x1024xf32, #tpu.memory_space<hbm>>
    %dma_start3A_813 = arith.constant 0 : i32
    %dma_start3A_814 = tpu.memref_slice %arg4[%multiple_of3A_810, %dma_start3A_813] : memref<12288x1024xf32, #tpu.memory_space<hbm>> -> memref<16x1024xf32, #tpu.memory_space<hbm>>
    tpu.enqueue_dma source(%arg11 : memref<16x1024xf32, #tpu.memory_space<vmem>>) target(%dma_start3A_814 : memref<16x1024xf32, #tpu.memory_space<hbm>>) target_semaphore(%arg13 : memref<!tpu.dma_semaphore, #tpu.memory_space<semaphore_mem>>)
    %dma_wait3A_815 = arith.constant 0 : i32
    %dma_wait3A_816 = tpu.memref_slice %arg4[%multiple_of3A_712, %dma_wait3A_815] : memref<12288x1024xf32, #tpu.memory_space<hbm>> -> memref<16x1024xf32, #tpu.memory_space<hbm>>
    %dma_wait3A_817 = arith.constant 0 : i32
    %dma_wait3A_818 = tpu.memref_slice %arg4[%multiple_of3A_712, %dma_wait3A_817] : memref<12288x1024xf32, #tpu.memory_space<hbm>> -> memref<16x1024xf32, #tpu.memory_space<hbm>>
    tpu.wait_dma2 semaphore(%arg13 : memref<!tpu.dma_semaphore, #tpu.memory_space<semaphore_mem>>) src(%arg6 : memref<16x1024xf32, #tpu.memory_space<vmem>>) dst(%dma_wait3A_818 : memref<16x1024xf32, #tpu.memory_space<hbm>>)
    %dma_wait3A_819 = arith.constant 0 : i32
    %dma_wait3A_820 = tpu.memref_slice %arg4[%multiple_of3A_737, %dma_wait3A_819] : memref<12288x1024xf32, #tpu.memory_space<hbm>> -> memref<16x1024xf32, #tpu.memory_space<hbm>>
    %dma_wait3A_821 = arith.constant 0 : i32
    %dma_wait3A_822 = tpu.memref_slice %arg4[%multiple_of3A_737, %dma_wait3A_821] : memref<12288x1024xf32, #tpu.memory_space<hbm>> -> memref<16x1024xf32, #tpu.memory_space<hbm>>
    tpu.wait_dma2 semaphore(%arg13 : memref<!tpu.dma_semaphore, #tpu.memory_space<semaphore_mem>>) src(%arg7 : memref<16x1024xf32, #tpu.memory_space<vmem>>) dst(%dma_wait3A_822 : memref<16x1024xf32, #tpu.memory_space<hbm>>)
    %dma_wait3A_823 = arith.constant 0 : i32
    %dma_wait3A_824 = tpu.memref_slice %arg4[%multiple_of3A_762, %dma_wait3A_823] : memref<12288x1024xf32, #tpu.memory_space<hbm>> -> memref<16x1024xf32, #tpu.memory_space<hbm>>
    %dma_wait3A_825 = arith.constant 0 : i32
    %dma_wait3A_826 = tpu.memref_slice %arg4[%multiple_of3A_762, %dma_wait3A_825] : memref<12288x1024xf32, #tpu.memory_space<hbm>> -> memref<16x1024xf32, #tpu.memory_space<hbm>>
    tpu.wait_dma2 semaphore(%arg13 : memref<!tpu.dma_semaphore, #tpu.memory_space<semaphore_mem>>) src(%arg8 : memref<16x1024xf32, #tpu.memory_space<vmem>>) dst(%dma_wait3A_826 : memref<16x1024xf32, #tpu.memory_space<hbm>>)
    %dma_wait3A_827 = arith.constant 0 : i32
    %dma_wait3A_828 = tpu.memref_slice %arg4[%multiple_of3A_778, %dma_wait3A_827] : memref<12288x1024xf32, #tpu.memory_space<hbm>> -> memref<16x1024xf32, #tpu.memory_space<hbm>>
    %dma_wait3A_829 = arith.constant 0 : i32
    %dma_wait3A_830 = tpu.memref_slice %arg4[%multiple_of3A_778, %dma_wait3A_829] : memref<12288x1024xf32, #tpu.memory_space<hbm>> -> memref<16x1024xf32, #tpu.memory_space<hbm>>
    tpu.wait_dma2 semaphore(%arg13 : memref<!tpu.dma_semaphore, #tpu.memory_space<semaphore_mem>>) src(%arg9 : memref<16x1024xf32, #tpu.memory_space<vmem>>) dst(%dma_wait3A_830 : memref<16x1024xf32, #tpu.memory_space<hbm>>)
    %dma_wait3A_831 = arith.constant 0 : i32
    %dma_wait3A_832 = tpu.memref_slice %arg4[%multiple_of3A_794, %dma_wait3A_831] : memref<12288x1024xf32, #tpu.memory_space<hbm>> -> memref<16x1024xf32, #tpu.memory_space<hbm>>
    %dma_wait3A_833 = arith.constant 0 : i32
    %dma_wait3A_834 = tpu.memref_slice %arg4[%multiple_of3A_794, %dma_wait3A_833] : memref<12288x1024xf32, #tpu.memory_space<hbm>> -> memref<16x1024xf32, #tpu.memory_space<hbm>>
    tpu.wait_dma2 semaphore(%arg13 : memref<!tpu.dma_semaphore, #tpu.memory_space<semaphore_mem>>) src(%arg10 : memref<16x1024xf32, #tpu.memory_space<vmem>>) dst(%dma_wait3A_834 : memref<16x1024xf32, #tpu.memory_space<hbm>>)
    %dma_wait3A_835 = arith.constant 0 : i32
    %dma_wait3A_836 = tpu.memref_slice %arg4[%multiple_of3A_810, %dma_wait3A_835] : memref<12288x1024xf32, #tpu.memory_space<hbm>> -> memref<16x1024xf32, #tpu.memory_space<hbm>>
    %dma_wait3A_837 = arith.constant 0 : i32
    %dma_wait3A_838 = tpu.memref_slice %arg4[%multiple_of3A_810, %dma_wait3A_837] : memref<12288x1024xf32, #tpu.memory_space<hbm>> -> memref<16x1024xf32, #tpu.memory_space<hbm>>
    tpu.wait_dma2 semaphore(%arg13 : memref<!tpu.dma_semaphore, #tpu.memory_space<semaphore_mem>>) src(%arg11 : memref<16x1024xf32, #tpu.memory_space<vmem>>) dst(%dma_wait3A_838 : memref<16x1024xf32, #tpu.memory_space<hbm>>)
    return
  }
}

</mosaic_0001>

<sc_bundles>
// kernel: gather_offload_async_start
scs
__scs_entry_jumppad:
0x0: {  	(pc) =	sbr.rel $0x88, $3  }
0x1: {  	(tag) =	ssettag $0x0;
	lr =	simm.s32 $0x1  }
0x2: {  	[smem:$0x3F9F] =	sst lr;
	_ =	strace $0xD0000000  }
0x3: {  	_ = 	snop  }
0x4: {  	_ = 	snop  }
0x5: {  	_ = 	snop  }
0x6: {  	_ = 	snop  }
0x7: {  	_ = 	snop  }
__scs_overlays_trampoline_lowered:
0x8: {  	[smem:$0x3FAE] =	sst s0  }
0x9: {  	[smem:$0x3FAF] =	sst s1  }
0xa: {  	[smem:$0x3FB0] =	sst s2  }
0xb: {  	[smem:$0x3FB1] =	sst s3  }
0xc: {  	[smem:$0x3FB2] =	sst s4  }
0xd: {  	[smem:$0x3FB3] =	sst s5  }
0xe: {  	[smem:$0x3FB4] =	sst s6  }
0xf: {  	[smem:$0x3FB5] =	sst s7  }
0x10: {  	[smem:$0x3FB6] =	sst s8  }
0x11: {  	[smem:$0x3FB7] =	sst s9;
	s0 =	simm.s32 @!p0 $0x0  }
0x12: {  	s1 =	sld [smem:$0x3F9D];
	s0 =	simm.s32 @p0 $0x1  }
0x13: {  	[smem:$0x3FB8] =	sst s0;
	s0 =	simm.s32 @!p1 $0x0  }
0x14: {  	s2 =	sld [smem:$0x3F9C];
	s0 =	simm.s32 @p1 $0x1  }
0x15: {  	[smem:$0x3FB9] =	sst s0;
	s0 =	simm.s32 @!p2 $0x0  }
0x16: {  	s3 =	sld [smem:$0x3FDB];
	s0 =	simm.s32 @p2 $0x1  }
0x17: {  	s4 =	simm.s32 $0x1BF5;
	[smem:$0x3FBB] =	sst s0  }
0x18: {  	s0 =	sld [smem:$0x3F9E];
	_ =	swait.ge [sflag:s4], $0x0  }
0x19: {  	s7 =	sld [smem:$0x3F9F]  }
0x1a: {  	s8 =	sadd.s32 $0xFFFFE003, lr  }
0x1b: {  	s9 =	sadd.s32 $0xFFFFFEF7, lr;
	s5 =	simm.s32 $0xFFFFFFFF;
	p2 =	slt.u32 s8, $0xFFFFF086  }
0x1c: {  	p1 =	slt.u32 s9, $0xF7A;
	s5 =	simm.s32 @!p2 $0x0  }
0x1d: {  	s5 =	simm.s32 @p1 $0x1;
	p0 =	seq.s32 s7, s2  }
0x1e: {  	s7 =	smul.u32 @!p0 $0xF7A, s2;
	p2 =	seq.s32 @!p0 s5, $0x0  }
0x1f: {  	s9 =	smul.u32 $0xF7A, s1;
	s8 =	simm.s32 @!p0 $0x1BF5;
	p2 =	por !p2, p0  }
0x20: {  	[sflag:s8] =	ssyncset.s32 @!p0 $0xFFFFF086;
	s6 =	sadd.s32 @!p0 s3, s7;
	s7 =	simm.s32 @!p0 $0x108  }
0x21: {  	s3 =	sadd.s32 s3, s9;
	s6 =	sadd.s32 @!p0 $0x88, s6;
	s7 =	simm.s32 @p2 $0x1082  }
0x22: {  	[simem:s7], [sflag:s8] =	dma.local @!p0 [hbm:s6], $0xF7A  }
0x23: {  	s9 =	sor.u32 $0xD0000000, s2;
	s6 =	simm.s32 $0x108;
	_ =	swait.ge @!p0 [sflag:s8], $0x0  }
0x24: {  	s3 =	sadd.s32 $0x88, s3;
	s6 =	simm.s32 @!p1 $0x1082;
	[sflag:s4] =	ssyncset.s32 $0xFFFFF086  }
0x25: {  	[simem:s6], [sflag:s4] =	dma.local [hbm:s3], $0xF7A  }
0x26: {  	[smem:$0x3F9F] =	sst s1;
	(tag) =	ssettag s2;
	_ =	strace s9  }
0x27: {  	s1 =	sld [smem:$0x3FAF]  }
0x28: {  	s2 =	sld [smem:$0x3FB0]  }
0x29: {  	s4 =	sld [smem:$0x3FB2]  }
0x2a: {  	p0 =	seq.s32 s5, $0x0;
	s5 =	sld [smem:$0x3FB3]  }
0x2b: {  	s6 =	sld [smem:$0x3FB4]  }
0x2c: {  	s7 =	sld [smem:$0x3FB5]  }
0x2d: {  	s3 =	simm.s32 $0x108;
	s8 =	sld [smem:$0x3FB6]  }
0x2e: {  	s3 =	simm.s32 @!p0 $0x1082;
	s9 =	sld [smem:$0x3FB7]  }
0x2f: {  	lr =	sadd.s32 s0, s3;
	s0 =	sld [smem:$0x3FAE]  }
0x30: {  	s3 =	sld [smem:$0x3FB1]  }
0x31: {  	[smem:$0x3FBA] =	sst s10  }
0x32: {  	s10 =	sld [smem:$0x3FB8];
	_ =	sdelay $0x3  }
0x33: {  	p0 =	seq.s32 s10, $0x1;
	s10 =	sld [smem:$0x3FBA];
	_ =	sdelay $0x3  }
0x34: {  	[smem:$0x3FBA] =	sst s10  }
0x35: {  	s10 =	sld [smem:$0x3FB9];
	_ =	sdelay $0x3  }
0x36: {  	p1 =	seq.s32 s10, $0x1;
	s10 =	sld [smem:$0x3FBA];
	_ =	sdelay $0x3  }
0x37: {  	[smem:$0x3FBA] =	sst s10  }
0x38: {  	s10 =	sld [smem:$0x3FBB]  }
0x39: {  	_ = 	snop;
	(pc) =	sbr.ind lr, $3  }
0x3a: {  	_ = 	snop  }
0x3b: {  	_ = 	snop  }
0x3c: {  	p2 =	seq.s32 s10, $0x1;
	s10 =	sld [smem:$0x3FBA]  }
0x3d: {  	_ =	shalt  }
0x3e: {  	_ =	shalt  }
0x3f: {  	_ =	shalt  }
0x40: {  	_ =	shalt  }
0x41: {  	_ =	shalt  }
0x42: {  	_ =	shalt  }
0x43: {  	_ =	shalt  }
0x44: {  	_ =	shalt  }
0x45: {  	_ =	shalt  }
0x46: {  	_ =	shalt  }
0x47: {  	_ =	shalt  }
0x48: {  	_ =	shalt  }
0x49: {  	_ =	shalt  }
0x4a: {  	_ =	shalt  }
0x4b: {  	_ =	shalt  }
0x4c: {  	_ =	shalt  }
0x4d: {  	_ =	shalt  }
0x4e: {  	_ =	shalt  }
0x4f: {  	_ =	shalt  }
0x50: {  	_ =	shalt  }
0x51: {  	_ =	shalt  }
0x52: {  	_ =	shalt  }
0x53: {  	_ =	shalt  }
0x54: {  	_ =	shalt  }
0x55: {  	_ =	shalt  }
0x56: {  	_ =	shalt  }
0x57: {  	_ =	shalt  }
0x58: {  	_ =	shalt  }
0x59: {  	_ =	shalt  }
0x5a: {  	_ =	shalt  }
0x5b: {  	_ =	shalt  }
0x5c: {  	_ =	shalt  }
0x5d: {  	_ =	shalt  }
0x5e: {  	_ =	shalt  }
0x5f: {  	_ =	shalt  }
0x60: {  	_ =	shalt  }
0x61: {  	_ =	shalt  }
0x62: {  	_ =	shalt  }
0x63: {  	_ =	shalt  }
0x64: {  	_ =	shalt  }
0x65: {  	_ =	shalt  }
0x66: {  	_ =	shalt  }
0x67: {  	_ =	shalt  }
0x68: {  	_ =	shalt  }
0x69: {  	_ =	shalt  }
0x6a: {  	_ =	shalt  }
0x6b: {  	_ =	shalt  }
0x6c: {  	_ =	shalt  }
0x6d: {  	_ =	shalt  }
0x6e: {  	_ =	shalt  }
0x6f: {  	_ =	shalt  }
0x70: {  	_ =	shalt  }
0x71: {  	_ =	shalt  }
0x72: {  	_ =	shalt  }
0x73: {  	_ =	shalt  }
0x74: {  	_ =	shalt  }
0x75: {  	_ =	shalt  }
0x76: {  	_ =	shalt  }
0x77: {  	_ =	shalt  }
0x78: {  	_ =	shalt  }
0x79: {  	_ =	shalt  }
0x7a: {  	_ =	shalt  }
0x7b: {  	_ =	shalt  }
0x7c: {  	_ =	shalt  }
0x7d: {  	_ =	shalt  }
0x7e: {  	_ =	shalt  }
0x7f: {  	_ =	shalt  }
0x80: {  	_ =	shalt  }
0x81: {  	_ =	shalt  }
0x82: {  	_ =	shalt  }
0x83: {  	_ =	shalt  }
0x84: {  	_ =	shalt  }
0x85: {  	_ =	shalt  }
0x86: {  	_ =	shalt  }
0x87: {  	_ =	shalt  }
.Lfunc_end0:
.L_simem_size_0:
called_computation_lowered:
.L_overlay_start_0:
0x88: {  	s2 =	sld [smem:$0x3FD9]  }
0x89: {  	s3 =	sld [smem:$0x3FFE];
	_ =	sdelay $0x1  }
0x8a: {  	s1 =	srdreg.scid  }
0x8b: {  	s0 =	sand.u32 $0x1, s1  }
0x8c: {  	s17 =	sshll.u32 s0, $0xA;
	s2 =	sadd.s32 s3, s2  }
0x8d: {  	s2 =	sadd.s32 s2, s17  }
0x8e: {  	[smem:$0x3FC6] =	sst s2  }
0x8f: {  	_ = 	snop  }
0x90: {  	s2 =	sld [smem:$0x3FD0];
	(tm) =	ssettm $0x1  }
0x91: {  	s18 =	sld [smem:$0x3FFB];
	_ =	sdelay $0x3  }
0x92: {  	_ =	strace s18  }
0x93: {  	s3 =	sld [smem:$0x3FFC];
	_ =	sdelay $0x3  }
0x94: {  	_ =	strace s3  }
0x95: {  	s3 =	sld [smem:$0x3FFD];
	_ =	sdelay $0x3  }
0x96: {  	_ =	strace s3  }
0x97: {  	_ =	strace $0x8FFFFFFF  }
0x98: {  	s19 =	sld [smem:$0x3FDB];
	_ =	sdelay $0x1  }
0x99: {  	s4 =	simm.s32 $_scs_section_size  }
0x9a: {  	s5 =	simm.s32 $_size__tile_overlayer_lowered;
	s6 =	simm.s32 $_tile_overlayer_lowered  }
0x9b: {  	s22 =	simm.s32 $0x1BFF;
	s21 =	sshll.u32 s6, $0x1;
	s3 =	sadd.s32 s4, s19  }
0x9c: {  	s7 =	simm.s32 $0x0;
	s20 =	sshll.u32 s5, $0x1;
	s5 =	sadd.s32 s21, s3  }
0x9d: {  	[timem:s7], [sflag:s22] =	dma.local [hbm:s5], s20  }
0x9e: {  	_ =	swait.ge [sflag:s22], s20  }
0x9f: {  	s4 =	ssub.s32 $0x0, s20;
	[sflag:s22] =	ssyncset.done $0x0  }
0xa0: {  	[sflag:s22] =	ssyncadd.s32 s4;
	_ =	sdelay $0x1  }
0xa1: {  	s23 =	simm.s32 $0x1B8B  }
0xa2: {  	_ =	swait.ge [sflag:s23], $0x1  }
0xa3: {  	[sflag:s23] =	ssyncset.done $0x0  }
0xa4: {  	s25 =	simm.s32 $0x1B8E;
	s24 =	sld [smem:$0x3FFE];
	[sflag:s23] =	ssyncadd.s32 $0xFFFFFFFF  }
0xa5: {  	s26 =	simm.s32 $execute0_lowered;
	[smem:$0x3FD2] =	sst s25  }
0xa6: {  	s5 =	sshll.u32 s26, $0x1;
	_ =	strace $0x80000046;
	[dreg:$0x1] =	wrdreg $0xFFFFFFFF  }
0xa7: {  	s28 =	simm.s32 $_size_execute0_lowered;
	s3 =	sadd.s32 s3, s5;
	[dreg:$0x0] =	wrdreg $0x0  }
0xa8: {  	s5 =	sshll.u32 s28, $0x1;
	[dreg:$0x2] =	wrdreg s3  }
0xa9: {  	[dreg:$0x3] =	wrdreg s5  }
0xaa: {  	[dreg:$0x4] =	wrdreg $0xC0  }
0xab: {  	_ =	task [dreg:s7], $0x5FFFF  }
0xac: {  	[dreg:$0x1] =	wrdreg $0xFFFFFFFF  }
0xad: {  	[dreg:$0x0] =	wrdreg $0x60  }
0xae: {  	[dreg:$0x2] =	wrdreg s2  }
0xaf: {  	[dreg:$0x3] =	wrdreg s24  }
0xb0: {  	[dreg:$0x4] =	wrdreg $0x9  }
0xb1: {  	_ =	task.clear_ibuf [dreg:s7], $0x5FFFF;
	_ =	strace $0x90000046  }
0xb2: {  	s29 =	simm.s32 $0x9;
	_ =	strace $0x80000048  }
0xb3: {  	_ =	swait.ge [sflag:s29], $0x1  }
0xb4: {  	[sflag:s29] =	ssyncadd.s32 $0xFFFFFFFF  }
0xb5: {  	_ =	strace $0x90000048  }
0xb6: {  	_ =	sfence  }
0xb7: {  	s30 =	sld [smem:$0x0];
	_ =	sdelay $0x2  }
0xb8: {  	s31 =	sshll.u32 s1, $0xD;
	s1 =	sshrl.u32 s1, $0x2  }
0xb9: {  	s3 =	sand.u32 $0x4000, s31;
	s1 =	sadd.s32 s1, s30  }
0xba: {  	s0 =	sor.u32 s3, s0;
	s1 =	sshll.u32 s1, $0x11  }
0xbb: {  	s0 =	sor.u32 s1, s0  }
0xbc: {  	s0 =	sadd.s32 $0x8F2B, s0  }
0xbd: {  	[sflag:s0] =	ssyncadd.remote.s32 $0x1  }
0xbe: {  	_ =	sfence.sel $0xFFFF  }
0xbf: {  	[dreg:$0x0] =	wrdreg $0xFFFFFFFF;
	(pc) =	sbr.abs _section_cstart, $3  }
0xc0: {  	[dreg:$0x1] =	wrdreg $0xFFFFFFFF  }
0xc1: {  	_ =	task.clear_ibuf [dreg:s7], $0x2FFFF;
	_ =	strace $0x9FFFFFFF  }
0xc2: {  	(tm) =	ssettm $0x7FFFFFFF  }
0xc3: {  	_ =	shalt  }
tec
execute0_lowered:
.L_overlay_start_1:
0x0: {  	(tag) =	ssettag $0x1  }
0x1: {  	s2 =	rddreg [dreg:$0x0]  }
0x2: {  	s7 =	rddreg [dreg:$0x1]  }
0x3: {  	s0 =	rddreg [dreg:$0x2]  }
0x4: {  	s1 =	srdreg.scid;
	_ =	strace $0x80000047;
	s4 =	simm.s32 $0x1  }
0x5: {  	s9 =	simm.s32 $0x3;
	s11 =	simm.s32 $0x0;
	s5 =	sshll.u32 s1, $0x4  }
.Ltmp0:
0x6: {  	s1 =	stileid.u32;
	s5 =	sand.u32 $0x10, s5;
	(pc) =	sbr.rel .LBB2_1-.Ltmp0, $4  }
0x7: {  	p0 =	por $0x0, $0x0;
	s3 =	sadd.s32 $0xA00, s7;
	s6 =	sor.u32 s1, s5  }
0x8: {  	[sflag:s4] =	ssyncpa.u1 $0x0;
	s5 =	simm.s32 $0x2;
	s6 =	sshll.u32 s6, $0x7  }
0x9: {  	s7 =	sadd.s32 $0xC00, s7;
	[sflag:s5] =	ssyncpa.u1 $0x0;
	s8 =	sadd.s32 $0x80, s6  }
0xa: {  	vm0 =	vmmov $0xff;
	vm1 =	vcmask $0x3F20;
	[sflag:s9] =	ssyncpa.u1 $0x0;
	s10 =	smov.u32 s6;
	s9 =	simm.s32 $0x0  }
.LBB2_9:
0xb: {  	p1 =	slt.u32 s9, $0x2;
	s11 =	sadd.s32 $0x20, s10  }
0xc: {  	s13 =	smov.u32 s6;
	s9 =	sadd.s32 $0x1, s9;
	p2 =	slt.s32 s11, s8  }
0xd: {  	s13 =	smov.u32 @p2 s11;
	p2 =	sne.s32 s9, $0x6  }
.Ltmp1:
0xe: {  	_ = 	snop;
	(pc) =	sbr.rel @!p2 .LBB2_10-.Ltmp1, $4  }
0xf: {  	s12 =	simm.s32 @!p1 $0x3  }
0x10: {  	_ =	swait.ge @!p1 [sflag:s12], $0x8000  }
0x11: {  	p0 =	por !p0, !p0;
	[sflag:s12] =	ssyncset.done @!p1 $0x0  }
0x12: {  	s11 =	smov.u32 s10;
	s10 =	smov.u32 s13;
	[sflag:s12] =	ssyncadd.s32 @!p1 $0xFFFF8000  }
.LBB2_1:
0x13: {  	p1 =	sgt.u32 s9, $0x3  }
0x14: {  	s12 =	sxor.u32 @!p1 $0xFFFFFFFF, s9  }
0x15: {  	s13 =	sshrl.u32 @!p1 s10, $0x3;
	s12 =	sshll.u32 @!p1 s12, $0x5  }
0x16: {  	s14 =	sand.u32 @!p1 $0x7, s10;
	s13 =	sadd.s32 @!p1 s3, s13;
	s12 =	sand.u32 @!p1 $0x20, s12  }
0x17: {  	[tilespmem:s12], [sflag:$0x2] =	stream.linear.gather @!p1 [hbm4b:s13+s14], $0x20, $0x38;
	[tilespmem:$0x10040] =	vst v63  }
0x18: {  	p1 =	seq.s32 s9, $0x0  }
0x19: {  	p2 =	seq.s32 @!p1 s9, $0x5  }
0x1a: {  	p1 =	por p1, p2  }
.Ltmp2:
0x1b: {  	_ = 	snop;
	(pc) =	sbr.rel @p1 .LBB2_9-.Ltmp2, $1  }
0x1c: {  	_ =	sdelay $0x3  }
0x1d: {  	s12 =	simm.s32 $0x1  }
0x1e: {  	_ =	swait.ge [sflag:s5], $0x20;
	s13 =	sand.u32 $0x1, s9;
	s12 =	simm.s32 @!p0 $0x0  }
0x1f: {  	s15 =	simm.s32 $0x0;
	p2 =	por $0x1, $0x1;
	s12 =	sshll.u32 s12, $0x11  }
0x20: {  	[sflag:s5] =	ssyncset.done $0x0;
	s13 =	sshll.u32 s13, $0x5;
	s14 =	sshrl.u32 s12, $0x2  }
0x21: {  	[sflag:s5] =	ssyncadd.s32 $0xFFFFFFE0;
	s12 =	sor.u32 $0x40, s14;
	s14 =	sadd.s32 $0x40, s14  }
.LBB2_3:
0x22: {  	s16 =	sshll.u32 s15, $0x4  }
0x23: {  	s16 =	sand.u32 $0x3FFFFFF0, s16  }
0x24: {  	s16 =	sadd.s32 s16, s13  }
0x25: {  	v0 =	vld.msk [tilespmem:s16+$0x0 ss:$0x1], $0xffff;
	_ =	sdelay $0x4  }
0x26: {  	vm2 =	vgt.s32 v0, $0x0  }
0x27: {  	v0 =	vnsel vm2, $0x0, v0  }
0x28: {  	v0 =	vmin.u32 v0, $0xFFF  }
0x29: {  	v1 =	vshll.u32 v0, $0x7;
	v0 =	vshll.u32 v0, $0x4  }
0x2a: {  	v1 =	vand.u32 $0x7FC00, v1;
	v0 =	vand.u32 $0x70, v0  }
0x2b: {  	v0 =	vor.u32 v0, v1  }
0x2c: {  	s31 =	sshll.u32 s15, $0x10  }
0x2d: {  	s15 =	sshra.s32 s31, $0x2  }
0x2e: {  	s15 =	sadd.s32 s15, s14  }
0x2f: {  	s17 =	sadd.s32 $0x0, s15  }
0x30: {  	[tilespmem:s17], [sflag:$0x1] =	stream.indirect_vreg.gather [hbm:s2], $0x80, v0, vm0, $0x38;
	[tilespmem:$0x10040] =	vst v63  }
0x31: {  	p1 =	por p2, p2;
	s16 =	simm.s32 $0x1000;
	v1 =	vadd.s32 $0x80, v0;
	s17 =	sadd.s32 $0x2000, s17  }
.LBB2_4:
0x32: {  	[tilespmem:s17], [sflag:$0x1] =	stream.indirect_vreg.gather [hbm:s2], $0x80, v0, vm1, $0x38;
	[tilespmem:$0x10040] =	vst v63  }
0x33: {  	v0 =	vmov v1;
	s17 =	smov.u32 s16;
	p2 =	sne.s32 s16, $0x7000  }
.Ltmp3:
0x34: {  	s16 =	sadd.s32 $0x1000, s16;
	(pc) =	sbr.rel @p2 .LBB2_4-.Ltmp3, $4  }
0x35: {  	s17 =	sshra.s32 s17, $0x2  }
0x36: {  	s17 =	sadd.s32 s17, s15  }
0x37: {  	[tilespmem:s17], [sflag:$0x1] =	stream.indirect_vreg.gather [hbm:s2], $0x80, v1, vm0, $0x38;
	[tilespmem:$0x10040] =	vst v63  }
0x38: {  	s17 =	sadd.s32 $0x2000, s17;
	v1 =	vadd.s32 $0x80, v1  }
0x39: {  	_ = 	snop  }
.Ltmp4:
0x3a: {  	_ = 	snop;
	(pc) =	sbr.rel @p1 .LBB2_3-.Ltmp4, $3  }
0x3b: {  	_ =	sdelay $0x1  }
0x3c: {  	[tilespmem:s17], [sflag:$0x1] =	stream.indirect_vreg.gather [hbm:s2], $0x80, v0, vm1, $0x38;
	[tilespmem:$0x10040] =	vst v63  }
0x3d: {  	s15 =	simm.s32 $0x1;
	p2 =	por $0x0, $0x0  }
0x3e: {  	s13 =	sshll.u32 s11, $0x7  }
0x3f: {  	s31 =	sshll.u32 s11, $0x4;
	s13 =	sand.u32 $0xFFFFFC00, s13  }
0x40: {  	_ =	swait.ge [sflag:s4], $0x8000;
	s11 =	sand.u32 $0x70, s31;
	s13 =	sadd.s32 s13, s7  }
0x41: {  	s14 =	sadd.s32 $0x2000, s12;
	[sflag:s4] =	ssyncset.done $0x0;
	s11 =	sadd.s32 s11, s13  }
0x42: {  	[sflag:s4] =	ssyncadd.s32 $0xFFFF8000;
	s13 =	simm.s32 $0x400;
	s15 =	sadd.s32 $0x0, s11  }
.LBB2_7:
0x43: {  	[hbm:s15] =	stream.linear.scatter [tilespmem:s12], [sflag:$0x3], $0x2000, $0x38;
	[tilespmem:$0x10040] =	vst v63  }
0x44: {  	s15 =	smov.u32 s13;
	s12 =	smov.u32 s14;
	p1 =	sne.s32 s13, $0xC00  }
.Ltmp5:
0x45: {  	s13 =	sadd.s32 $0x400, s13;
	(pc) =	sbr.rel @p1 .LBB2_7-.Ltmp5, $2  }
0x46: {  	_ =	sdelay $0x2  }
0x47: {  	s14 =	sadd.s32 $0x2000, s14;
	s15 =	sadd.s32 s15, s11  }
.Ltmp6:
0x48: {  	(pc) =	sbr.rel .LBB2_9-.Ltmp6, $2  }
0x49: {  	_ =	sdelay $0x2  }
0x4a: {  	[hbm:s15] =	stream.linear.scatter [tilespmem:s12], [sflag:$0x3], $0x2000, $0x38;
	[tilespmem:$0x10040] =	vst v63  }
.LBB2_10:
0x4b: {  	_ =	sfence.sel $0x180000  }
0x4c: {  	s2 =	simm.s32 $0x2;
	[bflag:$0x0] =	sbarrier.arrive $0xFFFF  }
0x4d: {  	s30 =	simm.s32 $0x3;
	[sflag:s2] =	ssyncpa.u1 $0x1  }
0x4e: {  	s31 =	simm.s32 $0x1;
	[sflag:s30] =	ssyncpa.u1 $0x1  }
0x4f: {  	[sflag:s31] =	ssyncpa.u1 $0x1  }
0x50: {  	p0 =	sne.s32 s1, $0x0;
	_ =	strace $0x90000047  }
0x51: {  	s0 =	sadd.s32 @!p0 $0x100000, s0;
	[bflag:$0x2] =	sbarrier.arrive $0xFFFF  }
0x52: {  	[sflag:s0] =	ssyncadd.tile.s32 @!p0 $0x1;
	_ =	shalt  }
.Lfunc_end2:
_tile_overlayer_lowered:
.L_overlay_start_2:
0x53: {  	(tag) =	ssettag $0x2  }
0x54: {  	s0 =	rddreg [dreg:$0x0];
	s2 =	stileid.u32  }
0x55: {  	s1 =	rddreg [dreg:$0x1];
	p0 =	sne.s32 s2, $0x0  }
0x56: {  	s3 =	rddreg [dreg:$0x2];
	[bflag:$0x3] =	sbarrier.arrive $0xFFFF;
	s2 =	simm.s32 @!p0 $0x1C01  }
0x57: {  	[timem:s3], [sflag:s2] =	dma.local @!p0 [hbm:s0], s1  }
0x58: {  	s0 =	simm.s32 @!p0 $0x1  }
0x59: {  	_ =	swait.ge @!p0 [sflag:s0], s1  }
0x5a: {  	s1 =	ssub.s32 @!p0 $0x0, s1;
	[sflag:s0] =	ssyncset.done @!p0 $0x0  }
0x5b: {  	[sflag:s0] =	ssyncadd.s32 @!p0 s1  }
0x5c: {  	[bflag:$0x3] =	sbarrier.arrive $0xFFFF  }
0x5d: {  	_ =	shalt  }

// kernel: kernel.3.cloned.1.call-start
scs
__scs_entry_jumppad:
0x0: {  	(pc) =	sbr.rel $0x88, $3  }
0x1: {  	(tag) =	ssettag $0x0;
	lr =	simm.s32 $0x1  }
0x2: {  	[smem:$0x3F9F] =	sst lr;
	_ =	strace $0xD0000000  }
0x3: {  	_ = 	snop  }
0x4: {  	_ = 	snop  }
0x5: {  	_ = 	snop  }
0x6: {  	_ = 	snop  }
0x7: {  	_ = 	snop  }
__scs_overlays_trampoline_lowered:
0x8: {  	[smem:$0x3FAE] =	sst s0  }
0x9: {  	[smem:$0x3FAF] =	sst s1  }
0xa: {  	[smem:$0x3FB0] =	sst s2  }
0xb: {  	[smem:$0x3FB1] =	sst s3  }
0xc: {  	[smem:$0x3FB2] =	sst s4  }
0xd: {  	[smem:$0x3FB3] =	sst s5  }
0xe: {  	[smem:$0x3FB4] =	sst s6  }
0xf: {  	[smem:$0x3FB5] =	sst s7  }
0x10: {  	[smem:$0x3FB6] =	sst s8  }
0x11: {  	[smem:$0x3FB7] =	sst s9;
	s0 =	simm.s32 @!p0 $0x0  }
0x12: {  	s1 =	sld [smem:$0x3F9D];
	s0 =	simm.s32 @p0 $0x1  }
0x13: {  	[smem:$0x3FB8] =	sst s0;
	s0 =	simm.s32 @!p1 $0x0  }
0x14: {  	s2 =	sld [smem:$0x3F9C];
	s0 =	simm.s32 @p1 $0x1  }
0x15: {  	[smem:$0x3FB9] =	sst s0;
	s0 =	simm.s32 @!p2 $0x0  }
0x16: {  	s3 =	sld [smem:$0x3FDB];
	s0 =	simm.s32 @p2 $0x1  }
0x17: {  	s4 =	simm.s32 $0x1BF5;
	[smem:$0x3FBB] =	sst s0  }
0x18: {  	s0 =	sld [smem:$0x3F9E];
	_ =	swait.ge [sflag:s4], $0x0  }
0x19: {  	s7 =	sld [smem:$0x3F9F]  }
0x1a: {  	s8 =	sadd.s32 $0xFFFFE003, lr  }
0x1b: {  	s9 =	sadd.s32 $0xFFFFFEF7, lr;
	s5 =	simm.s32 $0xFFFFFFFF;
	p2 =	slt.u32 s8, $0xFFFFF086  }
0x1c: {  	p1 =	slt.u32 s9, $0xF7A;
	s5 =	simm.s32 @!p2 $0x0  }
0x1d: {  	s5 =	simm.s32 @p1 $0x1;
	p0 =	seq.s32 s7, s2  }
0x1e: {  	s7 =	smul.u32 @!p0 $0xF7A, s2;
	p2 =	seq.s32 @!p0 s5, $0x0  }
0x1f: {  	s9 =	smul.u32 $0xF7A, s1;
	s8 =	simm.s32 @!p0 $0x1BF5;
	p2 =	por !p2, p0  }
0x20: {  	[sflag:s8] =	ssyncset.s32 @!p0 $0xFFFFF086;
	s6 =	sadd.s32 @!p0 s3, s7;
	s7 =	simm.s32 @!p0 $0x108  }
0x21: {  	s3 =	sadd.s32 s3, s9;
	s6 =	sadd.s32 @!p0 $0x88, s6;
	s7 =	simm.s32 @p2 $0x1082  }
0x22: {  	[simem:s7], [sflag:s8] =	dma.local @!p0 [hbm:s6], $0xF7A  }
0x23: {  	s9 =	sor.u32 $0xD0000000, s2;
	s6 =	simm.s32 $0x108;
	_ =	swait.ge @!p0 [sflag:s8], $0x0  }
0x24: {  	s3 =	sadd.s32 $0x88, s3;
	s6 =	simm.s32 @!p1 $0x1082;
	[sflag:s4] =	ssyncset.s32 $0xFFFFF086  }
0x25: {  	[simem:s6], [sflag:s4] =	dma.local [hbm:s3], $0xF7A  }
0x26: {  	[smem:$0x3F9F] =	sst s1;
	(tag) =	ssettag s2;
	_ =	strace s9  }
0x27: {  	s1 =	sld [smem:$0x3FAF]  }
0x28: {  	s2 =	sld [smem:$0x3FB0]  }
0x29: {  	s4 =	sld [smem:$0x3FB2]  }
0x2a: {  	p0 =	seq.s32 s5, $0x0;
	s5 =	sld [smem:$0x3FB3]  }
0x2b: {  	s6 =	sld [smem:$0x3FB4]  }
0x2c: {  	s7 =	sld [smem:$0x3FB5]  }
0x2d: {  	s3 =	simm.s32 $0x108;
	s8 =	sld [smem:$0x3FB6]  }
0x2e: {  	s3 =	simm.s32 @!p0 $0x1082;
	s9 =	sld [smem:$0x3FB7]  }
0x2f: {  	lr =	sadd.s32 s0, s3;
	s0 =	sld [smem:$0x3FAE]  }
0x30: {  	s3 =	sld [smem:$0x3FB1]  }
0x31: {  	[smem:$0x3FBA] =	sst s10  }
0x32: {  	s10 =	sld [smem:$0x3FB8];
	_ =	sdelay $0x3  }
0x33: {  	p0 =	seq.s32 s10, $0x1;
	s10 =	sld [smem:$0x3FBA];
	_ =	sdelay $0x3  }
0x34: {  	[smem:$0x3FBA] =	sst s10  }
0x35: {  	s10 =	sld [smem:$0x3FB9];
	_ =	sdelay $0x3  }
0x36: {  	p1 =	seq.s32 s10, $0x1;
	s10 =	sld [smem:$0x3FBA];
	_ =	sdelay $0x3  }
0x37: {  	[smem:$0x3FBA] =	sst s10  }
0x38: {  	s10 =	sld [smem:$0x3FBB]  }
0x39: {  	_ = 	snop;
	(pc) =	sbr.ind lr, $3  }
0x3a: {  	_ = 	snop  }
0x3b: {  	_ = 	snop  }
0x3c: {  	p2 =	seq.s32 s10, $0x1;
	s10 =	sld [smem:$0x3FBA]  }
0x3d: {  	_ =	shalt  }
0x3e: {  	_ =	shalt  }
0x3f: {  	_ =	shalt  }
0x40: {  	_ =	shalt  }
0x41: {  	_ =	shalt  }
0x42: {  	_ =	shalt  }
0x43: {  	_ =	shalt  }
0x44: {  	_ =	shalt  }
0x45: {  	_ =	shalt  }
0x46: {  	_ =	shalt  }
0x47: {  	_ =	shalt  }
0x48: {  	_ =	shalt  }
0x49: {  	_ =	shalt  }
0x4a: {  	_ =	shalt  }
0x4b: {  	_ =	shalt  }
0x4c: {  	_ =	shalt  }
0x4d: {  	_ =	shalt  }
0x4e: {  	_ =	shalt  }
0x4f: {  	_ =	shalt  }
0x50: {  	_ =	shalt  }
0x51: {  	_ =	shalt  }
0x52: {  	_ =	shalt  }
0x53: {  	_ =	shalt  }
0x54: {  	_ =	shalt  }
0x55: {  	_ =	shalt  }
0x56: {  	_ =	shalt  }
0x57: {  	_ =	shalt  }
0x58: {  	_ =	shalt  }
0x59: {  	_ =	shalt  }
0x5a: {  	_ =	shalt  }
0x5b: {  	_ =	shalt  }
0x5c: {  	_ =	shalt  }
0x5d: {  	_ =	shalt  }
0x5e: {  	_ =	shalt  }
0x5f: {  	_ =	shalt  }
0x60: {  	_ =	shalt  }
0x61: {  	_ =	shalt  }
0x62: {  	_ =	shalt  }
0x63: {  	_ =	shalt  }
0x64: {  	_ =	shalt  }
0x65: {  	_ =	shalt  }
0x66: {  	_ =	shalt  }
0x67: {  	_ =	shalt  }
0x68: {  	_ =	shalt  }
0x69: {  	_ =	shalt  }
0x6a: {  	_ =	shalt  }
0x6b: {  	_ =	shalt  }
0x6c: {  	_ =	shalt  }
0x6d: {  	_ =	shalt  }
0x6e: {  	_ =	shalt  }
0x6f: {  	_ =	shalt  }
0x70: {  	_ =	shalt  }
0x71: {  	_ =	shalt  }
0x72: {  	_ =	shalt  }
0x73: {  	_ =	shalt  }
0x74: {  	_ =	shalt  }
0x75: {  	_ =	shalt  }
0x76: {  	_ =	shalt  }
0x77: {  	_ =	shalt  }
0x78: {  	_ =	shalt  }
0x79: {  	_ =	shalt  }
0x7a: {  	_ =	shalt  }
0x7b: {  	_ =	shalt  }
0x7c: {  	_ =	shalt  }
0x7d: {  	_ =	shalt  }
0x7e: {  	_ =	shalt  }
0x7f: {  	_ =	shalt  }
0x80: {  	_ =	shalt  }
0x81: {  	_ =	shalt  }
0x82: {  	_ =	shalt  }
0x83: {  	_ =	shalt  }
0x84: {  	_ =	shalt  }
0x85: {  	_ =	shalt  }
0x86: {  	_ =	shalt  }
0x87: {  	_ =	shalt  }
.Lfunc_end0:
.L_simem_size_0:
called_computation.1_lowered:
.L_overlay_start_0:
0x88: {  	s2 =	sld [smem:$0x3FD9]  }
0x89: {  	s3 =	sld [smem:$0x3FFE];
	_ =	sdelay $0x1  }
0x8a: {  	s1 =	srdreg.scid  }
0x8b: {  	s0 =	sand.u32 $0x1, s1  }
0x8c: {  	s17 =	sshll.u32 s0, $0xA;
	s2 =	sadd.s32 s3, s2  }
0x8d: {  	s2 =	sadd.s32 s2, s17  }
0x8e: {  	[smem:$0x3FC6] =	sst s2  }
0x8f: {  	_ = 	snop  }
0x90: {  	s18 =	sld [smem:$0x3FC9]  }
0x91: {  	s4 =	sld [smem:$0x3FC8];
	(tm) =	ssettm $0x1  }
0x92: {  	s19 =	sld [smem:$0x3FFB];
	_ =	sdelay $0x3  }
0x93: {  	_ =	strace s19  }
0x94: {  	s2 =	sld [smem:$0x3FFC];
	_ =	sdelay $0x3  }
0x95: {  	_ =	strace s2  }
0x96: {  	s2 =	sld [smem:$0x3FFD];
	_ =	sdelay $0x3  }
0x97: {  	_ =	strace s2  }
0x98: {  	_ =	strace $0x8FFFFFFF  }
0x99: {  	s20 =	sld [smem:$0x3FDB];
	_ =	sdelay $0x1  }
0x9a: {  	s5 =	simm.s32 $_scs_section_size  }
0x9b: {  	s6 =	simm.s32 $_size__tile_overlayer_lowered;
	s7 =	simm.s32 $_tile_overlayer_lowered  }
0x9c: {  	s8 =	simm.s32 $0x1BFF;
	s21 =	sshll.u32 s7, $0x1;
	s5 =	sadd.s32 s5, s20  }
0x9d: {  	s22 =	simm.s32 $0x0;
	s6 =	sshll.u32 s6, $0x1;
	s7 =	sadd.s32 s21, s5  }
0x9e: {  	[timem:s22], [sflag:s8] =	dma.local [hbm:s7], s6  }
0x9f: {  	_ =	swait.ge [sflag:s8], s6  }
0xa0: {  	s6 =	ssub.s32 $0x0, s6;
	[sflag:s8] =	ssyncset.done $0x0  }
0xa1: {  	[sflag:s8] =	ssyncadd.s32 s6;
	_ =	sdelay $0x1  }
0xa2: {  	s23 =	simm.s32 $0x1B8B  }
0xa3: {  	_ =	swait.ge [sflag:s23], $0x1  }
0xa4: {  	[sflag:s23] =	ssyncset.done $0x0  }
0xa5: {  	[sflag:s23] =	ssyncadd.s32 $0xFFFFFFFF  }
0xa6: {  	s6 =	sld [smem:$0x0]  }
0xa7: {  	s7 =	sand.u32 $0xFFFFFFFE, s1  }
0xa8: {  	p0 =	sne.s32 s1, s7  }
0xa9: {  	s7 =	sshll.u32 @p0 s7, $0xE  }
0xaa: {  	s7 =	sadd.s32 @p0 $0x11B8D, s7;
	s8 =	sshll.u32 @p0 s6, $0x11  }
0xab: {  	s7 =	sor.u32 @p0 s8, s7  }
0xac: {  	[sflag:s7] =	ssyncadd.remote.s32 @p0 $0x1;
	_ =	sdelay $0x1  }
0xad: {  	s7 =	simm.s32 @p0 $0x1B8D  }
0xae: {  	_ =	swait.eq @p0 [sflag:s7], $0x1  }
0xaf: {  	[sflag:s7] =	ssyncadd.s32 @p0 $0xFFFFFFFF  }
0xb0: {  	s8 =	sshll.u32 @!p0 s1, $0xE  }
0xb1: {  	s8 =	sor.u32 @!p0 $0x4000, s8;
	s7 =	simm.s32 @!p0 $0x1B8D  }
0xb2: {  	s6 =	sshll.u32 @!p0 s6, $0x11;
	s8 =	sadd.s32 @!p0 $0x11B8D, s8;
	_ =	swait.eq @!p0 [sflag:s7], $0x1  }
0xb3: {  	s6 =	sor.u32 @!p0 s6, s8;
	[sflag:s7] =	ssyncadd.s32 @!p0 $0xFFFFFFFF  }
0xb4: {  	s25 =	simm.s32 $0x1B8E;
	s24 =	sld [smem:$0x3FFE];
	[sflag:s6] =	ssyncadd.remote.s32 @!p0 $0x1  }
0xb5: {  	s26 =	simm.s32 $execute0_lowered;
	[smem:$0x3FD2] =	sst s25  }
0xb6: {  	s7 =	sshll.u32 s26, $0x1;
	_ =	strace $0x80000049;
	[dreg:$0x1] =	wrdreg $0xFFFFFFFF  }
0xb7: {  	s28 =	simm.s32 $_size_execute0_lowered;
	s5 =	sadd.s32 s5, s7;
	[dreg:$0x0] =	wrdreg $0x0  }
0xb8: {  	s7 =	sshll.u32 s28, $0x1;
	[dreg:$0x2] =	wrdreg s5  }
0xb9: {  	[dreg:$0x3] =	wrdreg s7  }
0xba: {  	[dreg:$0x4] =	wrdreg $0xC0  }
0xbb: {  	_ =	task [dreg:s22], $0x5FFFF  }
0xbc: {  	[dreg:$0x1] =	wrdreg $0xFFFFFFFF  }
0xbd: {  	[dreg:$0x0] =	wrdreg $0x60  }
0xbe: {  	[dreg:$0x2] =	wrdreg s18  }
0xbf: {  	[dreg:$0x3] =	wrdreg s4  }
0xc0: {  	[dreg:$0x4] =	wrdreg s24  }
0xc1: {  	[dreg:$0x5] =	wrdreg $0xA  }
0xc2: {  	_ =	task.clear_ibuf [dreg:s22], $0x6FFFF;
	_ =	strace $0x90000049  }
0xc3: {  	s29 =	simm.s32 $0xA;
	_ =	strace $0x8000004B  }
0xc4: {  	_ =	swait.ge [sflag:s29], $0x1  }
0xc5: {  	[sflag:s29] =	ssyncadd.s32 $0xFFFFFFFF  }
0xc6: {  	_ =	strace $0x9000004B  }
0xc7: {  	_ =	sfence  }
0xc8: {  	s30 =	sld [smem:$0x0];
	_ =	sdelay $0x2  }
0xc9: {  	s31 =	sshll.u32 s1, $0xD;
	s1 =	sshrl.u32 s1, $0x2  }
0xca: {  	s4 =	sand.u32 $0x4000, s31;
	s1 =	sadd.s32 s1, s30  }
0xcb: {  	s0 =	sor.u32 s4, s0;
	s1 =	sshll.u32 s1, $0x11  }
0xcc: {  	s0 =	sor.u32 s1, s0  }
0xcd: {  	s0 =	sadd.s32 $0x8F2B, s0  }
0xce: {  	[sflag:s0] =	ssyncadd.remote.s32 $0x1  }
0xcf: {  	_ =	sfence.sel $0xFFFF  }
0xd0: {  	[dreg:$0x0] =	wrdreg $0xFFFFFFFF;
	(pc) =	sbr.abs _section_cstart, $3  }
0xd1: {  	[dreg:$0x1] =	wrdreg $0xFFFFFFFF  }
0xd2: {  	_ =	task.clear_ibuf [dreg:s22], $0x2FFFF;
	_ =	strace $0x9FFFFFFF  }
0xd3: {  	(tm) =	ssettm $0x7FFFFFFF  }
tec
execute0_lowered:
.L_overlay_start_1:
0x0: {  	(tag) =	ssettag $0x1  }
0x1: {  	s0 =	srdreg.scid  }
0x2: {  	s1 =	rddreg [dreg:$0x0];
	s3 =	stileid.u32;
	s0 =	sand.u32 $0x1, s0  }
0x3: {  	s2 =	rddreg [dreg:$0x1];
	s5 =	sshll.u32 s3, $0x8;
	s6 =	sshll.u32 s0, $0x7  }
0x4: {  	s4 =	rddreg [dreg:$0x2];
	s5 =	sor.u32 s6, s5  }
0x5: {  	s3 =	simm.s32 $0x0;
	s6 =	sshll.u32 s5, $0x7;
	s5 =	sshrl.u32 s5, $0x3  }
0x6: {  	[smem:$0x7FF] =	sst s3;
	s6 =	sadd.s32 s6, s4;
	s2 =	sadd.s32 s2, s5  }
0x7: {  	_ =	strace $0x8000004A;
	[dreg:$0x4] =	wrdreg s2;
	s4 =	sadd.s32 $0x80C00, s6  }
0x8: {  	s5 =	sadd.s32 $0x81400, s6;
	[dreg:$0x5] =	wrdreg s4  }
0x9: {  	s7 =	sadd.s32 $0x81C00, s6;
	[dreg:$0x6] =	wrdreg s5  }
0xa: {  	s8 =	sadd.s32 $0x82400, s6;
	[dreg:$0x7] =	wrdreg s7  }
0xb: {  	s9 =	sadd.s32 $0x82C00, s6;
	[dreg:$0x8] =	wrdreg s8  }
0xc: {  	s10 =	sadd.s32 $0x83400, s6;
	[dreg:$0x9] =	wrdreg s9  }
0xd: {  	s11 =	sadd.s32 $0x83C00, s6;
	[dreg:$0xa] =	wrdreg s10  }
0xe: {  	s12 =	sadd.s32 $0x84400, s6;
	[dreg:$0xb] =	wrdreg s11  }
0xf: {  	s13 =	sadd.s32 $0x100C00, s6;
	[dreg:$0xc] =	wrdreg s12  }
0x10: {  	s14 =	sadd.s32 $0x101400, s6;
	[dreg:$0xd] =	wrdreg s13  }
0x11: {  	s15 =	sadd.s32 $0x101C00, s6;
	[dreg:$0xe] =	wrdreg s14  }
0x12: {  	s16 =	sadd.s32 $0x102400, s6;
	[dreg:$0xf] =	wrdreg s15  }
0x13: {  	s17 =	sadd.s32 $0x102C00, s6;
	[dreg:$0x10] =	wrdreg s16  }
0x14: {  	s18 =	sadd.s32 $0x103400, s6;
	[dreg:$0x11] =	wrdreg s17  }
0x15: {  	s19 =	sadd.s32 $0x103C00, s6;
	[dreg:$0x12] =	wrdreg s18  }
0x16: {  	s20 =	sadd.s32 $0x104400, s6;
	[dreg:$0x13] =	wrdreg s19  }
0x17: {  	s29 =	simm.s32 $0x10180;
	s21 =	sadd.s32 $0x180C00, s6;
	[dreg:$0x14] =	wrdreg s20  }
0x18: {  	s0 =	ssub.s32 $0x2, s0;
	s22 =	sadd.s32 $0x181400, s6;
	[dreg:$0x15] =	wrdreg s21  }
0x19: {  	s25 =	sshrl.u32 s0, $0x1;
	s23 =	sadd.s32 $0x181C00, s6;
	[dreg:$0x16] =	wrdreg s22  }
0x1a: {  	s0 =	ssub.s32 s0, s25;
	s24 =	sadd.s32 $0x182400, s6;
	[dreg:$0x17] =	wrdreg s23  }
0x1b: {  	s25 =	simm.s32 $0xC180;
	s26 =	sadd.s32 $0x182C00, s6;
	[dreg:$0x18] =	wrdreg s24  }
0x1c: {  	s28 =	sadd.s32 $0x183400, s6;
	s30 =	sadd.s32 $0x183C00, s6;
	[dreg:$0x19] =	wrdreg s26  }
0x1d: {  	s31 =	sadd.s32 $0x184400, s6;
	s6 =	sadd.s32 $0x300, s1;
	[dreg:$0x1a] =	wrdreg s28  }
0x1e: {  	v2 =	vlaneseq.u32;
	s4 =	sadd.s32 $0x100, s1;
	s5 =	sadd.s32 $0x200, s1;
	[dreg:$0x1b] =	wrdreg s30  }
0x1f: {  	vm0 =	vmmov $0xffff;
	v1 =	vshrl.u32 v2, $0x3;
	[dreg:$0x1c] =	wrdreg s31;
	s7 =	smax.u32 s0, $0x1;
	s18 =	simm.s32 $0x1  }
0x20: {  	v0 =	vand.u32 $0x7, v2;
	v2 =	vor.u32 $0x8, v2;
	v1 =	vmul.u32 $0x8, v1;
	s13 =	simm.s32 $0x2;
	s19 =	simm.s32 $0x180;
	s8 =	simm.s32 $0x14180  }
.LBB2_1:
0x21: {  	s14 =	rddreg [dreg:$0x4];
	s12 =	simm.s32 $0x3  }
0x22: {  	[tilespmem:s3], [sflag:$0x3] =	stream.linear.gather [hbm4b:s14+s3], $0x80, $0x38;
	[tilespmem:$0x18180] =	vst v63  }
0x23: {  	_ =	swait.ge [sflag:s12], $0x80  }
0x24: {  	[sflag:s12] =	ssyncset.done $0x0  }
0x25: {  	[sflag:s12] =	ssyncadd.s32 $0xFFFFFF80  }
0x26: {  	v3 =	vld [tilespmem:$0x0]  }
0x27: {  	v4 =	vld [tilespmem:$0x10]  }
0x28: {  	v5 =	vld [tilespmem:$0x20]  }
0x29: {  	v6 =	vld [tilespmem:$0x30]  }
0x2a: {  	v7 =	vld [tilespmem:$0x40]  }
0x2b: {  	v9 =	vld [tilespmem:$0x50];
	v8 =	vadd.s32 $0x2000, v3  }
0x2c: {  	v10 =	vld [tilespmem:$0x60];
	v26 =	vadd.s32 $0x2000, v4;
	[tilespmem:$0x100] =	vst v8  }
0x2d: {  	v11 =	vld [tilespmem:$0x70];
	v27 =	vadd.s32 $0x2000, v5;
	[tilespmem:$0x110] =	vst v26  }
0x2e: {  	v28 =	vadd.s32 $0x2000, v6;
	[tilespmem:$0x120] =	vst v27  }
0x2f: {  	v29 =	vadd.s32 $0x2000, v7;
	[tilespmem:$0x130] =	vst v28  }
0x30: {  	v30 =	vadd.s32 $0x2000, v9;
	[tilespmem:$0x140] =	vst v29  }
0x31: {  	v31 =	vadd.s32 $0x2000, v10;
	[tilespmem:$0x150] =	vst v30  }
0x32: {  	v32 =	vadd.s32 $0x2000, v11;
	v12 =	vshll.u32 v3, $0x3;
	[tilespmem:$0x160] =	vst v31  }
0x33: {  	v33 =	vadd.s32 $0x1000, v3;
	v3 =	vand.u32 $0x7, v3;
	[tilespmem:$0x170] =	vst v32;
	v12 =	vand.u32 $0xFFFFFFC0, v12  }
0x34: {  	v4 =	vadd.s32 $0x1000, v4;
	[tilespmem:$0x80] =	vst v33;
	v3 =	vor.u32 v3, v12  }
0x35: {  	v34 =	vadd.s32 $0x1000, v5;
	[tilespmem:$0x90] =	vst v4;
	v35 =	vperm.xlane v3, v0  }
0x36: {  	v36 =	vadd.s32 $0x1000, v6;
	[tilespmem:$0xA0] =	vst v34  }
0x37: {  	v37 =	vadd.s32 $0x1000, v7;
	[tilespmem:$0xB0] =	vst v36;
	v5 =	vadd.s32 v1, v35  }
0x38: {  	v38 =	vadd.s32 $0x1000, v9;
	[tilespmem:$0xC0] =	vst v37  }
0x39: {  	v39 =	vadd.s32 $0x1000, v10;
	[tilespmem:$0xD0] =	vst v38  }
0x3a: {  	v40 =	vadd.s32 $0x1000, v11;
	[tilespmem:$0xE0] =	vst v39  }
0x3b: {  	[tilespmem:$0xF0] =	vst v40  }
0x3c: {  	[tilespmem:s19], [sflag:$0x1] =	stream.indirect_vreg.gather [hbm4b:s1+s3], $0x80, v5, vm0, $0xb8;
	[tilespmem:$0x18180] =	vst v63  }
0x3d: {  	s2 =	simm.s32 $0x980;
	v3 =	vperm.xlane v3, v2  }
0x3e: {  	[tilespmem:s2], [sflag:$0x1] =	stream.indirect_vreg.gather [hbm4b:s4+s3], $0x80, v5, vm0, $0xb8;
	[tilespmem:$0x18180] =	vst v63  }
0x3f: {  	s15 =	simm.s32 $0x1180;
	v3 =	vadd.s32 v1, v3  }
0x40: {  	[tilespmem:s15], [sflag:$0x1] =	stream.indirect_vreg.gather [hbm4b:s5+s3], $0x80, v5, vm0, $0xb8;
	[tilespmem:$0x18180] =	vst v63  }
0x41: {  	s16 =	simm.s32 $0x1980  }
0x42: {  	[tilespmem:s16], [sflag:$0x1] =	stream.indirect_vreg.gather [hbm4b:s6+s3], $0x80, v5, vm0, $0xb8;
	[tilespmem:$0x18180] =	vst v63  }
0x43: {  	s21 =	simm.s32 $0x2180  }
0x44: {  	[tilespmem:s21], [sflag:$0x1] =	stream.indirect_vreg.gather [hbm4b:s1+s3], $0x80, v3, vm0, $0xb8;
	[tilespmem:$0x18180] =	vst v63  }
0x45: {  	s22 =	simm.s32 $0x2980  }
0x46: {  	[tilespmem:s22], [sflag:$0x1] =	stream.indirect_vreg.gather [hbm4b:s4+s3], $0x80, v3, vm0, $0xb8;
	[tilespmem:$0x18180] =	vst v63  }
0x47: {  	s23 =	simm.s32 $0x3180  }
0x48: {  	[tilespmem:s23], [sflag:$0x1] =	stream.indirect_vreg.gather [hbm4b:s5+s3], $0x80, v3, vm0, $0xb8;
	[tilespmem:$0x18180] =	vst v63  }
0x49: {  	s24 =	simm.s32 $0x3980  }
0x4a: {  	[tilespmem:s24], [sflag:$0x1] =	stream.indirect_vreg.gather [hbm4b:s6+s3], $0x80, v3, vm0, $0xb8;
	[tilespmem:$0x18180] =	vst v63  }
0x4b: {  	v3 =	vld [tilespmem:$0x10];
	_ =	sdelay $0x4  }
0x4c: {  	v41 =	vshll.u32 v3, $0x3  }
0x4d: {  	v3 =	vand.u32 $0x7, v3;
	v4 =	vand.u32 $0xFFFFFFC0, v41  }
0x4e: {  	v3 =	vor.u32 v3, v4  }
0x4f: {  	v4 =	vperm.xlane v3, v0;
	_ =	sdelay $0x1  }
0x50: {  	v4 =	vadd.s32 v1, v4;
	_ =	sdelay $0x3  }
0x51: {  	s0 =	simm.s32 $0x4180  }
0x52: {  	[tilespmem:s0], [sflag:$0x1] =	stream.indirect_vreg.gather [hbm4b:s1+s3], $0x80, v4, vm0, $0xb8;
	[tilespmem:$0x18180] =	vst v63  }
0x53: {  	s26 =	simm.s32 $0x4980;
	v3 =	vperm.xlane v3, v2  }
0x54: {  	[tilespmem:s26], [sflag:$0x1] =	stream.indirect_vreg.gather [hbm4b:s4+s3], $0x80, v4, vm0, $0xb8;
	[tilespmem:$0x18180] =	vst v63  }
0x55: {  	s28 =	simm.s32 $0x5180;
	v3 =	vadd.s32 v1, v3  }
0x56: {  	[tilespmem:s28], [sflag:$0x1] =	stream.indirect_vreg.gather [hbm4b:s5+s3], $0x80, v4, vm0, $0xb8;
	[tilespmem:$0x18180] =	vst v63  }
0x57: {  	s30 =	simm.s32 $0x5980  }
0x58: {  	[tilespmem:s30], [sflag:$0x1] =	stream.indirect_vreg.gather [hbm4b:s6+s3], $0x80, v4, vm0, $0xb8;
	[tilespmem:$0x18180] =	vst v63  }
0x59: {  	s31 =	simm.s32 $0x6180  }
0x5a: {  	[tilespmem:s31], [sflag:$0x1] =	stream.indirect_vreg.gather [hbm4b:s1+s3], $0x80, v3, vm0, $0xb8;
	[tilespmem:$0x18180] =	vst v63  }
0x5b: {  	s0 =	simm.s32 $0x6980  }
0x5c: {  	[tilespmem:s0], [sflag:$0x1] =	stream.indirect_vreg.gather [hbm4b:s4+s3], $0x80, v3, vm0, $0xb8;
	[tilespmem:$0x18180] =	vst v63  }
0x5d: {  	s14 =	simm.s32 $0x7180  }
0x5e: {  	[tilespmem:s14], [sflag:$0x1] =	stream.indirect_vreg.gather [hbm4b:s5+s3], $0x80, v3, vm0, $0xb8;
	[tilespmem:$0x18180] =	vst v63  }
0x5f: {  	s21 =	simm.s32 $0x7980  }
0x60: {  	[tilespmem:s21], [sflag:$0x1] =	stream.indirect_vreg.gather [hbm4b:s6+s3], $0x80, v3, vm0, $0xb8;
	[tilespmem:$0x18180] =	vst v63  }
0x61: {  	v3 =	vld [tilespmem:$0x20];
	_ =	sdelay $0x4  }
0x62: {  	v42 =	vshll.u32 v3, $0x3  }
0x63: {  	v3 =	vand.u32 $0x7, v3;
	v4 =	vand.u32 $0xFFFFFFC0, v42  }
0x64: {  	v3 =	vor.u32 v3, v4  }
0x65: {  	v4 =	vperm.xlane v3, v0;
	_ =	sdelay $0x1  }
0x66: {  	v4 =	vadd.s32 v1, v4;
	_ =	sdelay $0x3  }
0x67: {  	s22 =	simm.s32 $0x8180  }
0x68: {  	[tilespmem:s22], [sflag:$0x1] =	stream.indirect_vreg.gather [hbm4b:s1+s3], $0x80, v4, vm0, $0xb8;
	[tilespmem:$0x18180] =	vst v63  }
0x69: {  	s26 =	simm.s32 $0x8980;
	v3 =	vperm.xlane v3, v2  }
0x6a: {  	[tilespmem:s26], [sflag:$0x1] =	stream.indirect_vreg.gather [hbm4b:s4+s3], $0x80, v4, vm0, $0xb8;
	[tilespmem:$0x18180] =	vst v63  }
0x6b: {  	s28 =	simm.s32 $0x9180;
	v3 =	vadd.s32 v1, v3  }
0x6c: {  	[tilespmem:s28], [sflag:$0x1] =	stream.indirect_vreg.gather [hbm4b:s5+s3], $0x80, v4, vm0, $0xb8;
	[tilespmem:$0x18180] =	vst v63  }
0x6d: {  	s30 =	simm.s32 $0x9980  }
0x6e: {  	[tilespmem:s30], [sflag:$0x1] =	stream.indirect_vreg.gather [hbm4b:s6+s3], $0x80, v4, vm0, $0xb8;
	[tilespmem:$0x18180] =	vst v63  }
0x6f: {  	s31 =	simm.s32 $0xA180  }
0x70: {  	[tilespmem:s31], [sflag:$0x1] =	stream.indirect_vreg.gather [hbm4b:s1+s3], $0x80, v3, vm0, $0xb8;
	[tilespmem:$0x18180] =	vst v63  }
0x71: {  	s0 =	simm.s32 $0xA980  }
0x72: {  	[tilespmem:s0], [sflag:$0x1] =	stream.indirect_vreg.gather [hbm4b:s4+s3], $0x80, v3, vm0, $0xb8;
	[tilespmem:$0x18180] =	vst v63  }
0x73: {  	s14 =	simm.s32 $0xB180  }
0x74: {  	[tilespmem:s14], [sflag:$0x1] =	stream.indirect_vreg.gather [hbm4b:s5+s3], $0x80, v3, vm0, $0xb8;
	[tilespmem:$0x18180] =	vst v63  }
0x75: {  	s26 =	simm.s32 $0xB980  }
0x76: {  	[tilespmem:s26], [sflag:$0x1] =	stream.indirect_vreg.gather [hbm4b:s6+s3], $0x80, v3, vm0, $0xb8;
	[tilespmem:$0x18180] =	vst v63  }
0x77: {  	v3 =	vld [tilespmem:$0x30];
	_ =	sdelay $0x4  }
0x78: {  	v43 =	vshll.u32 v3, $0x3  }
0x79: {  	v3 =	vand.u32 $0x7, v3;
	v4 =	vand.u32 $0xFFFFFFC0, v43  }
0x7a: {  	v3 =	vor.u32 v3, v4  }
0x7b: {  	v4 =	vperm.xlane v3, v0;
	_ =	sdelay $0x1  }
0x7c: {  	v4 =	vadd.s32 v1, v4;
	_ =	sdelay $0x4  }
0x7d: {  	[tilespmem:s25], [sflag:$0x1] =	stream.indirect_vreg.gather [hbm4b:s1+s3], $0x80, v4, vm0, $0xb8;
	[tilespmem:$0x18180] =	vst v63  }
0x7e: {  	s28 =	simm.s32 $0xC980;
	v3 =	vperm.xlane v3, v2  }
0x7f: {  	[tilespmem:s28], [sflag:$0x1] =	stream.indirect_vreg.gather [hbm4b:s4+s3], $0x80, v4, vm0, $0xb8;
	[tilespmem:$0x18180] =	vst v63  }
0x80: {  	s30 =	simm.s32 $0xD180;
	v3 =	vadd.s32 v1, v3  }
0x81: {  	[tilespmem:s30], [sflag:$0x1] =	stream.indirect_vreg.gather [hbm4b:s5+s3], $0x80, v4, vm0, $0xb8;
	[tilespmem:$0x18180] =	vst v63  }
0x82: {  	s31 =	simm.s32 $0xD980  }
0x83: {  	[tilespmem:s31], [sflag:$0x1] =	stream.indirect_vreg.gather [hbm4b:s6+s3], $0x80, v4, vm0, $0xb8;
	[tilespmem:$0x18180] =	vst v63  }
0x84: {  	s0 =	simm.s32 $0xE180  }
0x85: {  	[tilespmem:s0], [sflag:$0x1] =	stream.indirect_vreg.gather [hbm4b:s1+s3], $0x80, v3, vm0, $0xb8;
	[tilespmem:$0x18180] =	vst v63  }
0x86: {  	s14 =	simm.s32 $0xE980  }
0x87: {  	[tilespmem:s14], [sflag:$0x1] =	stream.indirect_vreg.gather [hbm4b:s4+s3], $0x80, v3, vm0, $0xb8;
	[tilespmem:$0x18180] =	vst v63  }
0x88: {  	s26 =	simm.s32 $0xF180  }
0x89: {  	[tilespmem:s26], [sflag:$0x1] =	stream.indirect_vreg.gather [hbm4b:s5+s3], $0x80, v3, vm0, $0xb8;
	[tilespmem:$0x18180] =	vst v63  }
0x8a: {  	s0 =	simm.s32 $0xF980  }
0x8b: {  	[tilespmem:s0], [sflag:$0x1] =	stream.indirect_vreg.gather [hbm4b:s6+s3], $0x80, v3, vm0, $0xb8;
	[tilespmem:$0x18180] =	vst v63  }
0x8c: {  	_ =	swait.ge [sflag:s18], $0x4000  }
0x8d: {  	[sflag:s18] =	ssyncset.done $0x0  }
0x8e: {  	s2 =	rddreg [dreg:$0x5];
	[sflag:s18] =	ssyncadd.s32 $0xFFFFC000  }
0x8f: {  	[hbm4b:s2+s3] =	stream.linear.scatter [tilespmem:s19], [sflag:$0x2], $0x4000, $0x38;
	[tilespmem:$0x18180] =	vst v63  }
0x90: {  	v3 =	vld [tilespmem:$0x40];
	_ =	sdelay $0x4  }
0x91: {  	v44 =	vshll.u32 v3, $0x3  }
0x92: {  	v3 =	vand.u32 $0x7, v3;
	v4 =	vand.u32 $0xFFFFFFC0, v44  }
0x93: {  	v3 =	vor.u32 v3, v4  }
0x94: {  	v4 =	vperm.xlane v3, v0;
	_ =	sdelay $0x1  }
0x95: {  	v4 =	vadd.s32 v1, v4;
	_ =	sdelay $0x4  }
0x96: {  	[tilespmem:s29], [sflag:$0x1] =	stream.indirect_vreg.gather [hbm4b:s1+s3], $0x80, v4, vm0, $0xb8;
	[tilespmem:$0x18180] =	vst v63  }
0x97: {  	s14 =	simm.s32 $0x10980;
	v3 =	vperm.xlane v3, v2  }
0x98: {  	[tilespmem:s14], [sflag:$0x1] =	stream.indirect_vreg.gather [hbm4b:s4+s3], $0x80, v4, vm0, $0xb8;
	[tilespmem:$0x18180] =	vst v63  }
0x99: {  	s26 =	simm.s32 $0x11180;
	v3 =	vadd.s32 v1, v3  }
0x9a: {  	[tilespmem:s26], [sflag:$0x1] =	stream.indirect_vreg.gather [hbm4b:s5+s3], $0x80, v4, vm0, $0xb8;
	[tilespmem:$0x18180] =	vst v63  }
0x9b: {  	s0 =	simm.s32 $0x11980  }
0x9c: {  	[tilespmem:s0], [sflag:$0x1] =	stream.indirect_vreg.gather [hbm4b:s6+s3], $0x80, v4, vm0, $0xb8;
	[tilespmem:$0x18180] =	vst v63  }
0x9d: {  	s14 =	simm.s32 $0x12180  }
0x9e: {  	[tilespmem:s14], [sflag:$0x1] =	stream.indirect_vreg.gather [hbm4b:s1+s3], $0x80, v3, vm0, $0xb8;
	[tilespmem:$0x18180] =	vst v63  }
0x9f: {  	s26 =	simm.s32 $0x12980  }
0xa0: {  	[tilespmem:s26], [sflag:$0x1] =	stream.indirect_vreg.gather [hbm4b:s4+s3], $0x80, v3, vm0, $0xb8;
	[tilespmem:$0x18180] =	vst v63  }
0xa1: {  	s0 =	simm.s32 $0x13180  }
0xa2: {  	[tilespmem:s0], [sflag:$0x1] =	stream.indirect_vreg.gather [hbm4b:s5+s3], $0x80, v3, vm0, $0xb8;
	[tilespmem:$0x18180] =	vst v63  }
0xa3: {  	s14 =	simm.s32 $0x13980  }
0xa4: {  	[tilespmem:s14], [sflag:$0x1] =	stream.indirect_vreg.gather [hbm4b:s6+s3], $0x80, v3, vm0, $0xb8;
	[tilespmem:$0x18180] =	vst v63  }
0xa5: {  	_ =	swait.ge [sflag:s18], $0x4000  }
0xa6: {  	[sflag:s18] =	ssyncset.done $0x0  }
0xa7: {  	s0 =	simm.s32 $0x4180;
	s26 =	rddreg [dreg:$0x6];
	[sflag:s18] =	ssyncadd.s32 $0xFFFFC000  }
0xa8: {  	[hbm4b:s26+s3] =	stream.linear.scatter [tilespmem:s0], [sflag:$0x2], $0x4000, $0x38;
	[tilespmem:$0x18180] =	vst v63  }
0xa9: {  	v3 =	vld [tilespmem:$0x50];
	_ =	sdelay $0x4  }
0xaa: {  	v45 =	vshll.u32 v3, $0x3  }
0xab: {  	v3 =	vand.u32 $0x7, v3;
	v4 =	vand.u32 $0xFFFFFFC0, v45  }
0xac: {  	v3 =	vor.u32 v3, v4  }
0xad: {  	v4 =	vperm.xlane v3, v0;
	_ =	sdelay $0x1  }
0xae: {  	v4 =	vadd.s32 v1, v4;
	_ =	sdelay $0x4  }
0xaf: {  	[tilespmem:s8], [sflag:$0x1] =	stream.indirect_vreg.gather [hbm4b:s1+s3], $0x80, v4, vm0, $0xb8;
	[tilespmem:$0x18180] =	vst v63  }
0xb0: {  	s2 =	simm.s32 $0x14980;
	v3 =	vperm.xlane v3, v2  }
0xb1: {  	[tilespmem:s2], [sflag:$0x1] =	stream.indirect_vreg.gather [hbm4b:s4+s3], $0x80, v4, vm0, $0xb8;
	[tilespmem:$0x18180] =	vst v63  }
0xb2: {  	s26 =	simm.s32 $0x15180;
	v3 =	vadd.s32 v1, v3  }
0xb3: {  	[tilespmem:s26], [sflag:$0x1] =	stream.indirect_vreg.gather [hbm4b:s5+s3], $0x80, v4, vm0, $0xb8;
	[tilespmem:$0x18180] =	vst v63  }
0xb4: {  	s2 =	simm.s32 $0x15980  }
0xb5: {  	[tilespmem:s2], [sflag:$0x1] =	stream.indirect_vreg.gather [hbm4b:s6+s3], $0x80, v4, vm0, $0xb8;
	[tilespmem:$0x18180] =	vst v63  }
0xb6: {  	s26 =	simm.s32 $0x16180  }
0xb7: {  	[tilespmem:s26], [sflag:$0x1] =	stream.indirect_vreg.gather [hbm4b:s1+s3], $0x80, v3, vm0, $0xb8;
	[tilespmem:$0x18180] =	vst v63  }
0xb8: {  	s2 =	simm.s32 $0x16980  }
0xb9: {  	[tilespmem:s2], [sflag:$0x1] =	stream.indirect_vreg.gather [hbm4b:s4+s3], $0x80, v3, vm0, $0xb8;
	[tilespmem:$0x18180] =	vst v63  }
0xba: {  	s26 =	simm.s32 $0x17180  }
0xbb: {  	[tilespmem:s26], [sflag:$0x1] =	stream.indirect_vreg.gather [hbm4b:s5+s3], $0x80, v3, vm0, $0xb8;
	[tilespmem:$0x18180] =	vst v63  }
0xbc: {  	s2 =	simm.s32 $0x17980  }
0xbd: {  	[tilespmem:s2], [sflag:$0x1] =	stream.indirect_vreg.gather [hbm4b:s6+s3], $0x80, v3, vm0, $0xb8;
	[tilespmem:$0x18180] =	vst v63  }
0xbe: {  	_ =	swait.ge [sflag:s18], $0x4000  }
0xbf: {  	[sflag:s18] =	ssyncset.done $0x0  }
0xc0: {  	s2 =	simm.s32 $0x8180;
	s26 =	rddreg [dreg:$0x7];
	[sflag:s18] =	ssyncadd.s32 $0xFFFFC000  }
0xc1: {  	[hbm4b:s26+s3] =	stream.linear.scatter [tilespmem:s2], [sflag:$0x2], $0x4000, $0x38;
	[tilespmem:$0x18180] =	vst v63  }
0xc2: {  	_ =	swait.ge [sflag:s13], $0x4000  }
0xc3: {  	[sflag:s13] =	ssyncset.done $0x0  }
0xc4: {  	[sflag:s13] =	ssyncadd.s32 $0xFFFFC000  }
0xc5: {  	v3 =	vld [tilespmem:$0x60];
	_ =	sdelay $0x4  }
0xc6: {  	v46 =	vshll.u32 v3, $0x3  }
0xc7: {  	v3 =	vand.u32 $0x7, v3;
	v4 =	vand.u32 $0xFFFFFFC0, v46  }
0xc8: {  	v3 =	vor.u32 v3, v4  }
0xc9: {  	v4 =	vperm.xlane v3, v0;
	_ =	sdelay $0x1  }
0xca: {  	v4 =	vadd.s32 v1, v4;
	_ =	sdelay $0x4  }
0xcb: {  	[tilespmem:s19], [sflag:$0x1] =	stream.indirect_vreg.gather [hbm4b:s1+s3], $0x80, v4, vm0, $0xb8;
	[tilespmem:$0x18180] =	vst v63  }
0xcc: {  	s20 =	simm.s32 $0x980;
	v3 =	vperm.xlane v3, v2  }
0xcd: {  	[tilespmem:s20], [sflag:$0x1] =	stream.indirect_vreg.gather [hbm4b:s4+s3], $0x80, v4, vm0, $0xb8;
	[tilespmem:$0x18180] =	vst v63  }
0xce: {  	s17 =	simm.s32 $0x1180;
	v3 =	vadd.s32 v1, v3  }
0xcf: {  	[tilespmem:s17], [sflag:$0x1] =	stream.indirect_vreg.gather [hbm4b:s5+s3], $0x80, v4, vm0, $0xb8;
	[tilespmem:$0x18180] =	vst v63  }
0xd0: {  	s26 =	simm.s32 $0x1980  }
0xd1: {  	[tilespmem:s26], [sflag:$0x1] =	stream.indirect_vreg.gather [hbm4b:s6+s3], $0x80, v4, vm0, $0xb8;
	[tilespmem:$0x18180] =	vst v63  }
0xd2: {  	s20 =	simm.s32 $0x2180  }
0xd3: {  	[tilespmem:s20], [sflag:$0x1] =	stream.indirect_vreg.gather [hbm4b:s1+s3], $0x80, v3, vm0, $0xb8;
	[tilespmem:$0x18180] =	vst v63  }
0xd4: {  	s11 =	simm.s32 $0x2980  }
0xd5: {  	[tilespmem:s11], [sflag:$0x1] =	stream.indirect_vreg.gather [hbm4b:s4+s3], $0x80, v3, vm0, $0xb8;
	[tilespmem:$0x18180] =	vst v63  }
0xd6: {  	s10 =	simm.s32 $0x3180  }
0xd7: {  	[tilespmem:s10], [sflag:$0x1] =	stream.indirect_vreg.gather [hbm4b:s5+s3], $0x80, v3, vm0, $0xb8;
	[tilespmem:$0x18180] =	vst v63  }
0xd8: {  	s9 =	simm.s32 $0x3980  }
0xd9: {  	[tilespmem:s9], [sflag:$0x1] =	stream.indirect_vreg.gather [hbm4b:s6+s3], $0x80, v3, vm0, $0xb8;
	[tilespmem:$0x18180] =	vst v63  }
0xda: {  	_ =	swait.ge [sflag:s18], $0x4000  }
0xdb: {  	[sflag:s18] =	ssyncset.done $0x0  }
0xdc: {  	s11 =	rddreg [dreg:$0x8];
	[sflag:s18] =	ssyncadd.s32 $0xFFFFC000  }
0xdd: {  	[hbm4b:s11+s3] =	stream.linear.scatter [tilespmem:s25], [sflag:$0x2], $0x4000, $0x38;
	[tilespmem:$0x18180] =	vst v63  }
0xde: {  	_ =	swait.ge [sflag:s13], $0x4000  }
0xdf: {  	[sflag:s13] =	ssyncset.done $0x0  }
0xe0: {  	[sflag:s13] =	ssyncadd.s32 $0xFFFFC000  }
0xe1: {  	v3 =	vld [tilespmem:$0x70];
	_ =	sdelay $0x4  }
0xe2: {  	v47 =	vshll.u32 v3, $0x3  }
0xe3: {  	v3 =	vand.u32 $0x7, v3;
	v4 =	vand.u32 $0xFFFFFFC0, v47  }
0xe4: {  	v3 =	vor.u32 v3, v4  }
0xe5: {  	v4 =	vperm.xlane v3, v0;
	_ =	sdelay $0x1  }
0xe6: {  	v4 =	vadd.s32 v1, v4;
	_ =	sdelay $0x4  }
0xe7: {  	[tilespmem:s0], [sflag:$0x1] =	stream.indirect_vreg.gather [hbm4b:s1+s3], $0x80, v4, vm0, $0xb8;
	[tilespmem:$0x18180] =	vst v63  }
0xe8: {  	s12 =	simm.s32 $0x4980;
	v3 =	vperm.xlane v3, v2  }
0xe9: {  	[tilespmem:s12], [sflag:$0x1] =	stream.indirect_vreg.gather [hbm4b:s4+s3], $0x80, v4, vm0, $0xb8;
	[tilespmem:$0x18180] =	vst v63  }
0xea: {  	s15 =	simm.s32 $0x5180;
	v3 =	vadd.s32 v1, v3  }
0xeb: {  	[tilespmem:s15], [sflag:$0x1] =	stream.indirect_vreg.gather [hbm4b:s5+s3], $0x80, v4, vm0, $0xb8;
	[tilespmem:$0x18180] =	vst v63  }
0xec: {  	s16 =	simm.s32 $0x5980  }
0xed: {  	[tilespmem:s16], [sflag:$0x1] =	stream.indirect_vreg.gather [hbm4b:s6+s3], $0x80, v4, vm0, $0xb8;
	[tilespmem:$0x18180] =	vst v63  }
0xee: {  	s23 =	simm.s32 $0x6180  }
0xef: {  	[tilespmem:s23], [sflag:$0x1] =	stream.indirect_vreg.gather [hbm4b:s1+s3], $0x80, v3, vm0, $0xb8;
	[tilespmem:$0x18180] =	vst v63  }
0xf0: {  	s24 =	simm.s32 $0x6980  }
0xf1: {  	[tilespmem:s24], [sflag:$0x1] =	stream.indirect_vreg.gather [hbm4b:s4+s3], $0x80, v3, vm0, $0xb8;
	[tilespmem:$0x18180] =	vst v63  }
0xf2: {  	s10 =	simm.s32 $0x7180  }
0xf3: {  	[tilespmem:s10], [sflag:$0x1] =	stream.indirect_vreg.gather [hbm4b:s5+s3], $0x80, v3, vm0, $0xb8;
	[tilespmem:$0x18180] =	vst v63  }
0xf4: {  	s17 =	simm.s32 $0x7980  }
0xf5: {  	[tilespmem:s17], [sflag:$0x1] =	stream.indirect_vreg.gather [hbm4b:s6+s3], $0x80, v3, vm0, $0xb8;
	[tilespmem:$0x18180] =	vst v63  }
0xf6: {  	_ =	swait.ge [sflag:s18], $0x4000  }
0xf7: {  	[sflag:s18] =	ssyncset.done $0x0  }
0xf8: {  	s16 =	rddreg [dreg:$0x9];
	[sflag:s18] =	ssyncadd.s32 $0xFFFFC000  }
0xf9: {  	[hbm4b:s16+s3] =	stream.linear.scatter [tilespmem:s29], [sflag:$0x2], $0x4000, $0x38;
	[tilespmem:$0x18180] =	vst v63  }
0xfa: {  	_ =	swait.ge [sflag:s13], $0x4000  }
0xfb: {  	[sflag:s13] =	ssyncset.done $0x0  }
0xfc: {  	[sflag:s13] =	ssyncadd.s32 $0xFFFFC000  }
0xfd: {  	v3 =	vld [tilespmem:$0x80];
	_ =	sdelay $0x4  }
0xfe: {  	v48 =	vshll.u32 v3, $0x3  }
0xff: {  	v3 =	vand.u32 $0x7, v3;
	v4 =	vand.u32 $0xFFFFFFC0, v48  }
0x100: {  	v3 =	vor.u32 v3, v4  }
0x101: {  	v4 =	vperm.xlane v3, v0;
	_ =	sdelay $0x1  }
0x102: {  	v4 =	vadd.s32 v1, v4;
	_ =	sdelay $0x4  }
0x103: {  	[tilespmem:s2], [sflag:$0x1] =	stream.indirect_vreg.gather [hbm4b:s1+s3], $0x80, v4, vm0, $0xb8;
	[tilespmem:$0x18180] =	vst v63  }
0x104: {  	s21 =	simm.s32 $0x8980;
	v3 =	vperm.xlane v3, v2  }
0x105: {  	[tilespmem:s21], [sflag:$0x1] =	stream.indirect_vreg.gather [hbm4b:s4+s3], $0x80, v4, vm0, $0xb8;
	[tilespmem:$0x18180] =	vst v63  }
0x106: {  	s22 =	simm.s32 $0x9180;
	v3 =	vadd.s32 v1, v3  }
0x107: {  	[tilespmem:s22], [sflag:$0x1] =	stream.indirect_vreg.gather [hbm4b:s5+s3], $0x80, v4, vm0, $0xb8;
	[tilespmem:$0x18180] =	vst v63  }
0x108: {  	s23 =	simm.s32 $0x9980  }
0x109: {  	[tilespmem:s23], [sflag:$0x1] =	stream.indirect_vreg.gather [hbm4b:s6+s3], $0x80, v4, vm0, $0xb8;
	[tilespmem:$0x18180] =	vst v63  }
0x10a: {  	s24 =	simm.s32 $0xA180  }
0x10b: {  	[tilespmem:s24], [sflag:$0x1] =	stream.indirect_vreg.gather [hbm4b:s1+s3], $0x80, v3, vm0, $0xb8;
	[tilespmem:$0x18180] =	vst v63  }
0x10c: {  	s9 =	simm.s32 $0xA980  }
0x10d: {  	[tilespmem:s9], [sflag:$0x1] =	stream.indirect_vreg.gather [hbm4b:s4+s3], $0x80, v3, vm0, $0xb8;
	[tilespmem:$0x18180] =	vst v63  }
0x10e: {  	s11 =	simm.s32 $0xB180  }
0x10f: {  	[tilespmem:s11], [sflag:$0x1] =	stream.indirect_vreg.gather [hbm4b:s5+s3], $0x80, v3, vm0, $0xb8;
	[tilespmem:$0x18180] =	vst v63  }
0x110: {  	s12 =	simm.s32 $0xB980  }
0x111: {  	[tilespmem:s12], [sflag:$0x1] =	stream.indirect_vreg.gather [hbm4b:s6+s3], $0x80, v3, vm0, $0xb8;
	[tilespmem:$0x18180] =	vst v63  }
0x112: {  	_ =	swait.ge [sflag:s18], $0x4000  }
0x113: {  	[sflag:s18] =	ssyncset.done $0x0  }
0x114: {  	s21 =	rddreg [dreg:$0xa];
	[sflag:s18] =	ssyncadd.s32 $0xFFFFC000  }
0x115: {  	[hbm4b:s21+s3] =	stream.linear.scatter [tilespmem:s8], [sflag:$0x2], $0x4000, $0x38;
	[tilespmem:$0x18180] =	vst v63  }
0x116: {  	_ =	swait.ge [sflag:s13], $0x4000  }
0x117: {  	[sflag:s13] =	ssyncset.done $0x0  }
0x118: {  	[sflag:s13] =	ssyncadd.s32 $0xFFFFC000  }
0x119: {  	v3 =	vld [tilespmem:$0x90];
	_ =	sdelay $0x4  }
0x11a: {  	v49 =	vshll.u32 v3, $0x3  }
0x11b: {  	v3 =	vand.u32 $0x7, v3;
	v4 =	vand.u32 $0xFFFFFFC0, v49  }
0x11c: {  	v3 =	vor.u32 v3, v4  }
0x11d: {  	v4 =	vperm.xlane v3, v0;
	_ =	sdelay $0x1  }
0x11e: {  	v4 =	vadd.s32 v1, v4;
	_ =	sdelay $0x4  }
0x11f: {  	[tilespmem:s25], [sflag:$0x1] =	stream.indirect_vreg.gather [hbm4b:s1+s3], $0x80, v4, vm0, $0xb8;
	[tilespmem:$0x18180] =	vst v63  }
0x120: {  	s28 =	simm.s32 $0xC980;
	v3 =	vperm.xlane v3, v2  }
0x121: {  	[tilespmem:s28], [sflag:$0x1] =	stream.indirect_vreg.gather [hbm4b:s4+s3], $0x80, v4, vm0, $0xb8;
	[tilespmem:$0x18180] =	vst v63  }
0x122: {  	s22 =	simm.s32 $0xD180;
	v3 =	vadd.s32 v1, v3  }
0x123: {  	[tilespmem:s22], [sflag:$0x1] =	stream.indirect_vreg.gather [hbm4b:s5+s3], $0x80, v4, vm0, $0xb8;
	[tilespmem:$0x18180] =	vst v63  }
0x124: {  	s28 =	simm.s32 $0xD980  }
0x125: {  	[tilespmem:s28], [sflag:$0x1] =	stream.indirect_vreg.gather [hbm4b:s6+s3], $0x80, v4, vm0, $0xb8;
	[tilespmem:$0x18180] =	vst v63  }
0x126: {  	s30 =	simm.s32 $0xE180  }
0x127: {  	[tilespmem:s30], [sflag:$0x1] =	stream.indirect_vreg.gather [hbm4b:s1+s3], $0x80, v3, vm0, $0xb8;
	[tilespmem:$0x18180] =	vst v63  }
0x128: {  	s31 =	simm.s32 $0xE980  }
0x129: {  	[tilespmem:s31], [sflag:$0x1] =	stream.indirect_vreg.gather [hbm4b:s4+s3], $0x80, v3, vm0, $0xb8;
	[tilespmem:$0x18180] =	vst v63  }
0x12a: {  	s21 =	simm.s32 $0xF180  }
0x12b: {  	[tilespmem:s21], [sflag:$0x1] =	stream.indirect_vreg.gather [hbm4b:s5+s3], $0x80, v3, vm0, $0xb8;
	[tilespmem:$0x18180] =	vst v63  }
0x12c: {  	s22 =	simm.s32 $0xF980  }
0x12d: {  	[tilespmem:s22], [sflag:$0x1] =	stream.indirect_vreg.gather [hbm4b:s6+s3], $0x80, v3, vm0, $0xb8;
	[tilespmem:$0x18180] =	vst v63  }
0x12e: {  	_ =	swait.ge [sflag:s18], $0x4000  }
0x12f: {  	[sflag:s18] =	ssyncset.done $0x0  }
0x130: {  	s30 =	rddreg [dreg:$0xb];
	[sflag:s18] =	ssyncadd.s32 $0xFFFFC000  }
0x131: {  	[hbm4b:s30+s3] =	stream.linear.scatter [tilespmem:s19], [sflag:$0x2], $0x4000, $0x38;
	[tilespmem:$0x18180] =	vst v63  }
0x132: {  	_ =	swait.ge [sflag:s13], $0x4000  }
0x133: {  	[sflag:s13] =	ssyncset.done $0x0  }
0x134: {  	[sflag:s13] =	ssyncadd.s32 $0xFFFFC000  }
0x135: {  	v3 =	vld [tilespmem:$0xA0];
	_ =	sdelay $0x4  }
0x136: {  	v50 =	vshll.u32 v3, $0x3  }
0x137: {  	v3 =	vand.u32 $0x7, v3;
	v4 =	vand.u32 $0xFFFFFFC0, v50  }
0x138: {  	v3 =	vor.u32 v3, v4  }
0x139: {  	v4 =	vperm.xlane v3, v0;
	_ =	sdelay $0x1  }
0x13a: {  	v4 =	vadd.s32 v1, v4;
	_ =	sdelay $0x4  }
0x13b: {  	[tilespmem:s29], [sflag:$0x1] =	stream.indirect_vreg.gather [hbm4b:s1+s3], $0x80, v4, vm0, $0xb8;
	[tilespmem:$0x18180] =	vst v63  }
0x13c: {  	s31 =	simm.s32 $0x10980;
	v3 =	vperm.xlane v3, v2  }
0x13d: {  	[tilespmem:s31], [sflag:$0x1] =	stream.indirect_vreg.gather [hbm4b:s4+s3], $0x80, v4, vm0, $0xb8;
	[tilespmem:$0x18180] =	vst v63  }
0x13e: {  	s28 =	simm.s32 $0x11180;
	v3 =	vadd.s32 v1, v3  }
0x13f: {  	[tilespmem:s28], [sflag:$0x1] =	stream.indirect_vreg.gather [hbm4b:s5+s3], $0x80, v4, vm0, $0xb8;
	[tilespmem:$0x18180] =	vst v63  }
0x140: {  	s30 =	simm.s32 $0x11980  }
0x141: {  	[tilespmem:s30], [sflag:$0x1] =	stream.indirect_vreg.gather [hbm4b:s6+s3], $0x80, v4, vm0, $0xb8;
	[tilespmem:$0x18180] =	vst v63  }
0x142: {  	s31 =	simm.s32 $0x12180  }
0x143: {  	[tilespmem:s31], [sflag:$0x1] =	stream.indirect_vreg.gather [hbm4b:s1+s3], $0x80, v3, vm0, $0xb8;
	[tilespmem:$0x18180] =	vst v63  }
0x144: {  	s15 =	simm.s32 $0x12980  }
0x145: {  	[tilespmem:s15], [sflag:$0x1] =	stream.indirect_vreg.gather [hbm4b:s4+s3], $0x80, v3, vm0, $0xb8;
	[tilespmem:$0x18180] =	vst v63  }
0x146: {  	s16 =	simm.s32 $0x13180  }
0x147: {  	[tilespmem:s16], [sflag:$0x1] =	stream.indirect_vreg.gather [hbm4b:s5+s3], $0x80, v3, vm0, $0xb8;
	[tilespmem:$0x18180] =	vst v63  }
0x148: {  	s14 =	simm.s32 $0x13980  }
0x149: {  	[tilespmem:s14], [sflag:$0x1] =	stream.indirect_vreg.gather [hbm4b:s6+s3], $0x80, v3, vm0, $0xb8;
	[tilespmem:$0x18180] =	vst v63  }
0x14a: {  	_ =	swait.ge [sflag:s18], $0x4000  }
0x14b: {  	[sflag:s18] =	ssyncset.done $0x0  }
0x14c: {  	s0 =	simm.s32 $0x4180;
	s14 =	rddreg [dreg:$0xc];
	[sflag:s18] =	ssyncadd.s32 $0xFFFFC000  }
0x14d: {  	[hbm4b:s14+s3] =	stream.linear.scatter [tilespmem:s0], [sflag:$0x2], $0x4000, $0x38;
	[tilespmem:$0x18180] =	vst v63  }
0x14e: {  	_ =	swait.ge [sflag:s13], $0x4000  }
0x14f: {  	[sflag:s13] =	ssyncset.done $0x0  }
0x150: {  	[sflag:s13] =	ssyncadd.s32 $0xFFFFC000  }
0x151: {  	v3 =	vld [tilespmem:$0xB0];
	_ =	sdelay $0x4  }
0x152: {  	v51 =	vshll.u32 v3, $0x3  }
0x153: {  	v3 =	vand.u32 $0x7, v3;
	v4 =	vand.u32 $0xFFFFFFC0, v51  }
0x154: {  	v3 =	vor.u32 v3, v4  }
0x155: {  	v4 =	vperm.xlane v3, v0;
	_ =	sdelay $0x1  }
0x156: {  	v4 =	vadd.s32 v1, v4;
	_ =	sdelay $0x4  }
0x157: {  	[tilespmem:s8], [sflag:$0x1] =	stream.indirect_vreg.gather [hbm4b:s1+s3], $0x80, v4, vm0, $0xb8;
	[tilespmem:$0x18180] =	vst v63  }
0x158: {  	s14 =	simm.s32 $0x14980;
	v3 =	vperm.xlane v3, v2  }
0x159: {  	[tilespmem:s14], [sflag:$0x1] =	stream.indirect_vreg.gather [hbm4b:s4+s3], $0x80, v4, vm0, $0xb8;
	[tilespmem:$0x18180] =	vst v63  }
0x15a: {  	v3 =	vadd.s32 v1, v3;
	s14 =	simm.s32 $0x15180  }
0x15b: {  	[tilespmem:s14], [sflag:$0x1] =	stream.indirect_vreg.gather [hbm4b:s5+s3], $0x80, v4, vm0, $0xb8;
	[tilespmem:$0x18180] =	vst v63  }
0x15c: {  	s14 =	simm.s32 $0x15980  }
0x15d: {  	[tilespmem:s14], [sflag:$0x1] =	stream.indirect_vreg.gather [hbm4b:s6+s3], $0x80, v4, vm0, $0xb8;
	[tilespmem:$0x18180] =	vst v63  }
0x15e: {  	s14 =	simm.s32 $0x16180  }
0x15f: {  	[tilespmem:s14], [sflag:$0x1] =	stream.indirect_vreg.gather [hbm4b:s1+s3], $0x80, v3, vm0, $0xb8;
	[tilespmem:$0x18180] =	vst v63  }
0x160: {  	s14 =	simm.s32 $0x16980  }
0x161: {  	[tilespmem:s14], [sflag:$0x1] =	stream.indirect_vreg.gather [hbm4b:s4+s3], $0x80, v3, vm0, $0xb8;
	[tilespmem:$0x18180] =	vst v63  }
0x162: {  	s14 =	simm.s32 $0x17180  }
0x163: {  	[tilespmem:s14], [sflag:$0x1] =	stream.indirect_vreg.gather [hbm4b:s5+s3], $0x80, v3, vm0, $0xb8;
	[tilespmem:$0x18180] =	vst v63  }
0x164: {  	s14 =	simm.s32 $0x17980  }
0x165: {  	[tilespmem:s14], [sflag:$0x1] =	stream.indirect_vreg.gather [hbm4b:s6+s3], $0x80, v3, vm0, $0xb8;
	[tilespmem:$0x18180] =	vst v63  }
0x166: {  	_ =	swait.ge [sflag:s18], $0x4000  }
0x167: {  	[sflag:s18] =	ssyncset.done $0x0  }
0x168: {  	s2 =	simm.s32 $0x8180;
	s14 =	rddreg [dreg:$0xd];
	[sflag:s18] =	ssyncadd.s32 $0xFFFFC000  }
0x169: {  	[hbm4b:s14+s3] =	stream.linear.scatter [tilespmem:s2], [sflag:$0x2], $0x4000, $0x38;
	[tilespmem:$0x18180] =	vst v63  }
0x16a: {  	_ =	swait.ge [sflag:s13], $0x4000  }
0x16b: {  	[sflag:s13] =	ssyncset.done $0x0  }
0x16c: {  	[sflag:s13] =	ssyncadd.s32 $0xFFFFC000  }
0x16d: {  	v3 =	vld [tilespmem:$0xC0];
	_ =	sdelay $0x4  }
0x16e: {  	v52 =	vshll.u32 v3, $0x3  }
0x16f: {  	v3 =	vand.u32 $0x7, v3;
	v4 =	vand.u32 $0xFFFFFFC0, v52  }
0x170: {  	v3 =	vor.u32 v3, v4  }
0x171: {  	v4 =	vperm.xlane v3, v0;
	_ =	sdelay $0x1  }
0x172: {  	v4 =	vadd.s32 v1, v4;
	_ =	sdelay $0x4  }
0x173: {  	[tilespmem:s19], [sflag:$0x1] =	stream.indirect_vreg.gather [hbm4b:s1+s3], $0x80, v4, vm0, $0xb8;
	[tilespmem:$0x18180] =	vst v63  }
0x174: {  	s14 =	simm.s32 $0x980;
	v3 =	vperm.xlane v3, v2  }
0x175: {  	[tilespmem:s14], [sflag:$0x1] =	stream.indirect_vreg.gather [hbm4b:s4+s3], $0x80, v4, vm0, $0xb8;
	[tilespmem:$0x18180] =	vst v63  }
0x176: {  	v3 =	vadd.s32 v1, v3;
	s14 =	simm.s32 $0x1180  }
0x177: {  	[tilespmem:s14], [sflag:$0x1] =	stream.indirect_vreg.gather [hbm4b:s5+s3], $0x80, v4, vm0, $0xb8;
	[tilespmem:$0x18180] =	vst v63  }
0x178: {  	_ = 	snop  }
0x179: {  	[tilespmem:s26], [sflag:$0x1] =	stream.indirect_vreg.gather [hbm4b:s6+s3], $0x80, v4, vm0, $0xb8;
	[tilespmem:$0x18180] =	vst v63  }
0x17a: {  	_ = 	snop  }
0x17b: {  	[tilespmem:s20], [sflag:$0x1] =	stream.indirect_vreg.gather [hbm4b:s1+s3], $0x80, v3, vm0, $0xb8;
	[tilespmem:$0x18180] =	vst v63  }
0x17c: {  	s14 =	simm.s32 $0x2980  }
0x17d: {  	[tilespmem:s14], [sflag:$0x1] =	stream.indirect_vreg.gather [hbm4b:s4+s3], $0x80, v3, vm0, $0xb8;
	[tilespmem:$0x18180] =	vst v63  }
0x17e: {  	s14 =	simm.s32 $0x3180  }
0x17f: {  	[tilespmem:s14], [sflag:$0x1] =	stream.indirect_vreg.gather [hbm4b:s5+s3], $0x80, v3, vm0, $0xb8;
	[tilespmem:$0x18180] =	vst v63  }
0x180: {  	s14 =	simm.s32 $0x3980  }
0x181: {  	[tilespmem:s14], [sflag:$0x1] =	stream.indirect_vreg.gather [hbm4b:s6+s3], $0x80, v3, vm0, $0xb8;
	[tilespmem:$0x18180] =	vst v63  }
0x182: {  	_ =	swait.ge [sflag:s18], $0x4000  }
0x183: {  	[sflag:s18] =	ssyncset.done $0x0  }
0x184: {  	s14 =	rddreg [dreg:$0xe];
	[sflag:s18] =	ssyncadd.s32 $0xFFFFC000  }
0x185: {  	[hbm4b:s14+s3] =	stream.linear.scatter [tilespmem:s25], [sflag:$0x2], $0x4000, $0x38;
	[tilespmem:$0x18180] =	vst v63  }
0x186: {  	_ =	swait.ge [sflag:s13], $0x4000  }
0x187: {  	[sflag:s13] =	ssyncset.done $0x0  }
0x188: {  	[sflag:s13] =	ssyncadd.s32 $0xFFFFC000  }
0x189: {  	v3 =	vld [tilespmem:$0xD0];
	_ =	sdelay $0x4  }
0x18a: {  	v53 =	vshll.u32 v3, $0x3  }
0x18b: {  	v3 =	vand.u32 $0x7, v3;
	v4 =	vand.u32 $0xFFFFFFC0, v53  }
0x18c: {  	v3 =	vor.u32 v3, v4  }
0x18d: {  	v4 =	vperm.xlane v3, v0;
	_ =	sdelay $0x1  }
0x18e: {  	v4 =	vadd.s32 v1, v4;
	_ =	sdelay $0x4  }
0x18f: {  	[tilespmem:s0], [sflag:$0x1] =	stream.indirect_vreg.gather [hbm4b:s1+s3], $0x80, v4, vm0, $0xb8;
	[tilespmem:$0x18180] =	vst v63  }
0x190: {  	s14 =	simm.s32 $0x4980;
	v3 =	vperm.xlane v3, v2  }
0x191: {  	[tilespmem:s14], [sflag:$0x1] =	stream.indirect_vreg.gather [hbm4b:s4+s3], $0x80, v4, vm0, $0xb8;
	[tilespmem:$0x18180] =	vst v63  }
0x192: {  	v3 =	vadd.s32 v1, v3;
	s14 =	simm.s32 $0x5180  }
0x193: {  	[tilespmem:s14], [sflag:$0x1] =	stream.indirect_vreg.gather [hbm4b:s5+s3], $0x80, v4, vm0, $0xb8;
	[tilespmem:$0x18180] =	vst v63  }
0x194: {  	s14 =	simm.s32 $0x5980  }
0x195: {  	[tilespmem:s14], [sflag:$0x1] =	stream.indirect_vreg.gather [hbm4b:s6+s3], $0x80, v4, vm0, $0xb8;
	[tilespmem:$0x18180] =	vst v63  }
0x196: {  	s14 =	simm.s32 $0x6180  }
0x197: {  	[tilespmem:s14], [sflag:$0x1] =	stream.indirect_vreg.gather [hbm4b:s1+s3], $0x80, v3, vm0, $0xb8;
	[tilespmem:$0x18180] =	vst v63  }
0x198: {  	s14 =	simm.s32 $0x6980  }
0x199: {  	[tilespmem:s14], [sflag:$0x1] =	stream.indirect_vreg.gather [hbm4b:s4+s3], $0x80, v3, vm0, $0xb8;
	[tilespmem:$0x18180] =	vst v63  }
0x19a: {  	_ = 	snop  }
0x19b: {  	[tilespmem:s10], [sflag:$0x1] =	stream.indirect_vreg.gather [hbm4b:s5+s3], $0x80, v3, vm0, $0xb8;
	[tilespmem:$0x18180] =	vst v63  }
0x19c: {  	_ = 	snop  }
0x19d: {  	[tilespmem:s17], [sflag:$0x1] =	stream.indirect_vreg.gather [hbm4b:s6+s3], $0x80, v3, vm0, $0xb8;
	[tilespmem:$0x18180] =	vst v63  }
0x19e: {  	_ =	swait.ge [sflag:s18], $0x4000  }
0x19f: {  	[sflag:s18] =	ssyncset.done $0x0  }
0x1a0: {  	s10 =	rddreg [dreg:$0xf];
	[sflag:s18] =	ssyncadd.s32 $0xFFFFC000  }
0x1a1: {  	[hbm4b:s10+s3] =	stream.linear.scatter [tilespmem:s29], [sflag:$0x2], $0x4000, $0x38;
	[tilespmem:$0x18180] =	vst v63  }
0x1a2: {  	_ =	swait.ge [sflag:s13], $0x4000  }
0x1a3: {  	[sflag:s13] =	ssyncset.done $0x0  }
0x1a4: {  	[sflag:s13] =	ssyncadd.s32 $0xFFFFC000  }
0x1a5: {  	v3 =	vld [tilespmem:$0xE0];
	_ =	sdelay $0x4  }
0x1a6: {  	v54 =	vshll.u32 v3, $0x3  }
0x1a7: {  	v3 =	vand.u32 $0x7, v3;
	v4 =	vand.u32 $0xFFFFFFC0, v54  }
0x1a8: {  	v3 =	vor.u32 v3, v4  }
0x1a9: {  	v4 =	vperm.xlane v3, v0;
	_ =	sdelay $0x1  }
0x1aa: {  	v4 =	vadd.s32 v1, v4;
	_ =	sdelay $0x4  }
0x1ab: {  	[tilespmem:s2], [sflag:$0x1] =	stream.indirect_vreg.gather [hbm4b:s1+s3], $0x80, v4, vm0, $0xb8;
	[tilespmem:$0x18180] =	vst v63  }
0x1ac: {  	s17 =	simm.s32 $0x8980;
	v3 =	vperm.xlane v3, v2  }
0x1ad: {  	[tilespmem:s17], [sflag:$0x1] =	stream.indirect_vreg.gather [hbm4b:s4+s3], $0x80, v4, vm0, $0xb8;
	[tilespmem:$0x18180] =	vst v63  }
0x1ae: {  	v3 =	vadd.s32 v1, v3;
	s2 =	simm.s32 $0x9180  }
0x1af: {  	[tilespmem:s2], [sflag:$0x1] =	stream.indirect_vreg.gather [hbm4b:s5+s3], $0x80, v4, vm0, $0xb8;
	[tilespmem:$0x18180] =	vst v63  }
0x1b0: {  	_ = 	snop  }
0x1b1: {  	[tilespmem:s23], [sflag:$0x1] =	stream.indirect_vreg.gather [hbm4b:s6+s3], $0x80, v4, vm0, $0xb8;
	[tilespmem:$0x18180] =	vst v63  }
0x1b2: {  	_ = 	snop  }
0x1b3: {  	[tilespmem:s24], [sflag:$0x1] =	stream.indirect_vreg.gather [hbm4b:s1+s3], $0x80, v3, vm0, $0xb8;
	[tilespmem:$0x18180] =	vst v63  }
0x1b4: {  	_ = 	snop  }
0x1b5: {  	[tilespmem:s9], [sflag:$0x1] =	stream.indirect_vreg.gather [hbm4b:s4+s3], $0x80, v3, vm0, $0xb8;
	[tilespmem:$0x18180] =	vst v63  }
0x1b6: {  	_ = 	snop  }
0x1b7: {  	[tilespmem:s11], [sflag:$0x1] =	stream.indirect_vreg.gather [hbm4b:s5+s3], $0x80, v3, vm0, $0xb8;
	[tilespmem:$0x18180] =	vst v63  }
0x1b8: {  	_ = 	snop  }
0x1b9: {  	[tilespmem:s12], [sflag:$0x1] =	stream.indirect_vreg.gather [hbm4b:s6+s3], $0x80, v3, vm0, $0xb8;
	[tilespmem:$0x18180] =	vst v63  }
0x1ba: {  	_ =	swait.ge [sflag:s18], $0x4000  }
0x1bb: {  	[sflag:s18] =	ssyncset.done $0x0  }
0x1bc: {  	s10 =	rddreg [dreg:$0x10];
	[sflag:s18] =	ssyncadd.s32 $0xFFFFC000  }
0x1bd: {  	[hbm4b:s10+s3] =	stream.linear.scatter [tilespmem:s8], [sflag:$0x2], $0x4000, $0x38;
	[tilespmem:$0x18180] =	vst v63  }
0x1be: {  	_ =	swait.ge [sflag:s13], $0x4000  }
0x1bf: {  	[sflag:s13] =	ssyncset.done $0x0  }
0x1c0: {  	[sflag:s13] =	ssyncadd.s32 $0xFFFFC000  }
0x1c1: {  	v3 =	vld [tilespmem:$0xF0];
	_ =	sdelay $0x4  }
0x1c2: {  	v55 =	vshll.u32 v3, $0x3  }
0x1c3: {  	v3 =	vand.u32 $0x7, v3;
	v4 =	vand.u32 $0xFFFFFFC0, v55  }
0x1c4: {  	v3 =	vor.u32 v3, v4  }
0x1c5: {  	v4 =	vperm.xlane v3, v0;
	_ =	sdelay $0x1  }
0x1c6: {  	v4 =	vadd.s32 v1, v4;
	_ =	sdelay $0x4  }
0x1c7: {  	[tilespmem:s25], [sflag:$0x1] =	stream.indirect_vreg.gather [hbm4b:s1+s3], $0x80, v4, vm0, $0xb8;
	[tilespmem:$0x18180] =	vst v63  }
0x1c8: {  	s17 =	simm.s32 $0xC980;
	v3 =	vperm.xlane v3, v2  }
0x1c9: {  	[tilespmem:s17], [sflag:$0x1] =	stream.indirect_vreg.gather [hbm4b:s4+s3], $0x80, v4, vm0, $0xb8;
	[tilespmem:$0x18180] =	vst v63  }
0x1ca: {  	s2 =	simm.s32 $0xD180;
	v3 =	vadd.s32 v1, v3  }
0x1cb: {  	[tilespmem:s2], [sflag:$0x1] =	stream.indirect_vreg.gather [hbm4b:s5+s3], $0x80, v4, vm0, $0xb8;
	[tilespmem:$0x18180] =	vst v63  }
0x1cc: {  	s9 =	simm.s32 $0xD980  }
0x1cd: {  	[tilespmem:s9], [sflag:$0x1] =	stream.indirect_vreg.gather [hbm4b:s6+s3], $0x80, v4, vm0, $0xb8;
	[tilespmem:$0x18180] =	vst v63  }
0x1ce: {  	s10 =	simm.s32 $0xE180  }
0x1cf: {  	[tilespmem:s10], [sflag:$0x1] =	stream.indirect_vreg.gather [hbm4b:s1+s3], $0x80, v3, vm0, $0xb8;
	[tilespmem:$0x18180] =	vst v63  }
0x1d0: {  	s14 =	simm.s32 $0xE980  }
0x1d1: {  	[tilespmem:s14], [sflag:$0x1] =	stream.indirect_vreg.gather [hbm4b:s4+s3], $0x80, v3, vm0, $0xb8;
	[tilespmem:$0x18180] =	vst v63  }
0x1d2: {  	_ = 	snop  }
0x1d3: {  	[tilespmem:s21], [sflag:$0x1] =	stream.indirect_vreg.gather [hbm4b:s5+s3], $0x80, v3, vm0, $0xb8;
	[tilespmem:$0x18180] =	vst v63  }
0x1d4: {  	_ = 	snop  }
0x1d5: {  	[tilespmem:s22], [sflag:$0x1] =	stream.indirect_vreg.gather [hbm4b:s6+s3], $0x80, v3, vm0, $0xb8;
	[tilespmem:$0x18180] =	vst v63  }
0x1d6: {  	_ =	swait.ge [sflag:s18], $0x4000  }
0x1d7: {  	[sflag:s18] =	ssyncset.done $0x0  }
0x1d8: {  	s17 =	rddreg [dreg:$0x11];
	[sflag:s18] =	ssyncadd.s32 $0xFFFFC000  }
0x1d9: {  	[hbm4b:s17+s3] =	stream.linear.scatter [tilespmem:s19], [sflag:$0x2], $0x4000, $0x38;
	[tilespmem:$0x18180] =	vst v63  }
0x1da: {  	_ =	swait.ge [sflag:s13], $0x4000  }
0x1db: {  	[sflag:s13] =	ssyncset.done $0x0  }
0x1dc: {  	[sflag:s13] =	ssyncadd.s32 $0xFFFFC000  }
0x1dd: {  	v3 =	vld [tilespmem:$0x100];
	_ =	sdelay $0x4  }
0x1de: {  	v56 =	vshll.u32 v3, $0x3  }
0x1df: {  	v3 =	vand.u32 $0x7, v3;
	v4 =	vand.u32 $0xFFFFFFC0, v56  }
0x1e0: {  	v3 =	vor.u32 v3, v4  }
0x1e1: {  	v4 =	vperm.xlane v3, v0;
	_ =	sdelay $0x1  }
0x1e2: {  	v4 =	vadd.s32 v1, v4;
	_ =	sdelay $0x4  }
0x1e3: {  	[tilespmem:s29], [sflag:$0x1] =	stream.indirect_vreg.gather [hbm4b:s1+s3], $0x80, v4, vm0, $0xb8;
	[tilespmem:$0x18180] =	vst v63  }
0x1e4: {  	s22 =	simm.s32 $0x10980;
	v3 =	vperm.xlane v3, v2  }
0x1e5: {  	[tilespmem:s22], [sflag:$0x1] =	stream.indirect_vreg.gather [hbm4b:s4+s3], $0x80, v4, vm0, $0xb8;
	[tilespmem:$0x18180] =	vst v63  }
0x1e6: {  	v3 =	vadd.s32 v1, v3  }
0x1e7: {  	[tilespmem:s28], [sflag:$0x1] =	stream.indirect_vreg.gather [hbm4b:s5+s3], $0x80, v4, vm0, $0xb8;
	[tilespmem:$0x18180] =	vst v63  }
0x1e8: {  	_ = 	snop  }
0x1e9: {  	[tilespmem:s30], [sflag:$0x1] =	stream.indirect_vreg.gather [hbm4b:s6+s3], $0x80, v4, vm0, $0xb8;
	[tilespmem:$0x18180] =	vst v63  }
0x1ea: {  	_ = 	snop  }
0x1eb: {  	[tilespmem:s31], [sflag:$0x1] =	stream.indirect_vreg.gather [hbm4b:s1+s3], $0x80, v3, vm0, $0xb8;
	[tilespmem:$0x18180] =	vst v63  }
0x1ec: {  	_ = 	snop  }
0x1ed: {  	[tilespmem:s15], [sflag:$0x1] =	stream.indirect_vreg.gather [hbm4b:s4+s3], $0x80, v3, vm0, $0xb8;
	[tilespmem:$0x18180] =	vst v63  }
0x1ee: {  	_ = 	snop  }
0x1ef: {  	[tilespmem:s16], [sflag:$0x1] =	stream.indirect_vreg.gather [hbm4b:s5+s3], $0x80, v3, vm0, $0xb8;
	[tilespmem:$0x18180] =	vst v63  }
0x1f0: {  	s9 =	simm.s32 $0x13980  }
0x1f1: {  	[tilespmem:s9], [sflag:$0x1] =	stream.indirect_vreg.gather [hbm4b:s6+s3], $0x80, v3, vm0, $0xb8;
	[tilespmem:$0x18180] =	vst v63  }
0x1f2: {  	_ =	swait.ge [sflag:s18], $0x4000  }
0x1f3: {  	[sflag:s18] =	ssyncset.done $0x0  }
0x1f4: {  	s2 =	simm.s32 $0x4180;
	s31 =	rddreg [dreg:$0x12];
	[sflag:s18] =	ssyncadd.s32 $0xFFFFC000  }
0x1f5: {  	[hbm4b:s31+s3] =	stream.linear.scatter [tilespmem:s2], [sflag:$0x2], $0x4000, $0x38;
	[tilespmem:$0x18180] =	vst v63  }
0x1f6: {  	_ =	swait.ge [sflag:s13], $0x4000  }
0x1f7: {  	[sflag:s13] =	ssyncset.done $0x0  }
0x1f8: {  	[sflag:s13] =	ssyncadd.s32 $0xFFFFC000  }
0x1f9: {  	v3 =	vld [tilespmem:$0x110];
	_ =	sdelay $0x4  }
0x1fa: {  	v57 =	vshll.u32 v3, $0x3  }
0x1fb: {  	v3 =	vand.u32 $0x7, v3;
	v4 =	vand.u32 $0xFFFFFFC0, v57  }
0x1fc: {  	v3 =	vor.u32 v3, v4  }
0x1fd: {  	v4 =	vperm.xlane v3, v0;
	_ =	sdelay $0x1  }
0x1fe: {  	v4 =	vadd.s32 v1, v4;
	_ =	sdelay $0x4  }
0x1ff: {  	[tilespmem:s8], [sflag:$0x1] =	stream.indirect_vreg.gather [hbm4b:s1+s3], $0x80, v4, vm0, $0xb8;
	[tilespmem:$0x18180] =	vst v63  }
0x200: {  	s0 =	simm.s32 $0x14980;
	v3 =	vperm.xlane v3, v2  }
0x201: {  	[tilespmem:s0], [sflag:$0x1] =	stream.indirect_vreg.gather [hbm4b:s4+s3], $0x80, v4, vm0, $0xb8;
	[tilespmem:$0x18180] =	vst v63  }
0x202: {  	s22 =	simm.s32 $0x15180;
	v3 =	vadd.s32 v1, v3  }
0x203: {  	[tilespmem:s22], [sflag:$0x1] =	stream.indirect_vreg.gather [hbm4b:s5+s3], $0x80, v4, vm0, $0xb8;
	[tilespmem:$0x18180] =	vst v63  }
0x204: {  	s30 =	simm.s32 $0x15980  }
0x205: {  	[tilespmem:s30], [sflag:$0x1] =	stream.indirect_vreg.gather [hbm4b:s6+s3], $0x80, v4, vm0, $0xb8;
	[tilespmem:$0x18180] =	vst v63  }
0x206: {  	s31 =	simm.s32 $0x16180  }
0x207: {  	[tilespmem:s31], [sflag:$0x1] =	stream.indirect_vreg.gather [hbm4b:s1+s3], $0x80, v3, vm0, $0xb8;
	[tilespmem:$0x18180] =	vst v63  }
0x208: {  	s0 =	simm.s32 $0x16980  }
0x209: {  	[tilespmem:s0], [sflag:$0x1] =	stream.indirect_vreg.gather [hbm4b:s4+s3], $0x80, v3, vm0, $0xb8;
	[tilespmem:$0x18180] =	vst v63  }
0x20a: {  	s0 =	simm.s32 $0x17180  }
0x20b: {  	[tilespmem:s0], [sflag:$0x1] =	stream.indirect_vreg.gather [hbm4b:s5+s3], $0x80, v3, vm0, $0xb8;
	[tilespmem:$0x18180] =	vst v63  }
0x20c: {  	s0 =	simm.s32 $0x17980  }
0x20d: {  	[tilespmem:s0], [sflag:$0x1] =	stream.indirect_vreg.gather [hbm4b:s6+s3], $0x80, v3, vm0, $0xb8;
	[tilespmem:$0x18180] =	vst v63  }
0x20e: {  	_ =	swait.ge [sflag:s18], $0x4000  }
0x20f: {  	[sflag:s18] =	ssyncset.done $0x0  }
0x210: {  	s0 =	simm.s32 $0x8180;
	s14 =	rddreg [dreg:$0x13];
	[sflag:s18] =	ssyncadd.s32 $0xFFFFC000  }
0x211: {  	[hbm4b:s14+s3] =	stream.linear.scatter [tilespmem:s0], [sflag:$0x2], $0x4000, $0x38;
	[tilespmem:$0x18180] =	vst v63  }
0x212: {  	_ =	swait.ge [sflag:s13], $0x4000  }
0x213: {  	[sflag:s13] =	ssyncset.done $0x0  }
0x214: {  	[sflag:s13] =	ssyncadd.s32 $0xFFFFC000  }
0x215: {  	v3 =	vld [tilespmem:$0x120];
	_ =	sdelay $0x4  }
0x216: {  	v58 =	vshll.u32 v3, $0x3  }
0x217: {  	v3 =	vand.u32 $0x7, v3;
	v4 =	vand.u32 $0xFFFFFFC0, v58  }
0x218: {  	v3 =	vor.u32 v3, v4  }
0x219: {  	v4 =	vperm.xlane v3, v0;
	_ =	sdelay $0x1  }
0x21a: {  	v4 =	vadd.s32 v1, v4;
	_ =	sdelay $0x4  }
0x21b: {  	[tilespmem:s19], [sflag:$0x1] =	stream.indirect_vreg.gather [hbm4b:s1+s3], $0x80, v4, vm0, $0xb8;
	[tilespmem:$0x18180] =	vst v63  }
0x21c: {  	s14 =	simm.s32 $0x980;
	v3 =	vperm.xlane v3, v2  }
0x21d: {  	[tilespmem:s14], [sflag:$0x1] =	stream.indirect_vreg.gather [hbm4b:s4+s3], $0x80, v4, vm0, $0xb8;
	[tilespmem:$0x18180] =	vst v63  }
0x21e: {  	v3 =	vadd.s32 v1, v3;
	s14 =	simm.s32 $0x1180  }
0x21f: {  	[tilespmem:s14], [sflag:$0x1] =	stream.indirect_vreg.gather [hbm4b:s5+s3], $0x80, v4, vm0, $0xb8;
	[tilespmem:$0x18180] =	vst v63  }
0x220: {  	s26 =	simm.s32 $0x1980  }
0x221: {  	[tilespmem:s26], [sflag:$0x1] =	stream.indirect_vreg.gather [hbm4b:s6+s3], $0x80, v4, vm0, $0xb8;
	[tilespmem:$0x18180] =	vst v63  }
0x222: {  	s20 =	simm.s32 $0x2180  }
0x223: {  	[tilespmem:s20], [sflag:$0x1] =	stream.indirect_vreg.gather [hbm4b:s1+s3], $0x80, v3, vm0, $0xb8;
	[tilespmem:$0x18180] =	vst v63  }
0x224: {  	s20 =	simm.s32 $0x2980  }
0x225: {  	[tilespmem:s20], [sflag:$0x1] =	stream.indirect_vreg.gather [hbm4b:s4+s3], $0x80, v3, vm0, $0xb8;
	[tilespmem:$0x18180] =	vst v63  }
0x226: {  	s26 =	simm.s32 $0x3180  }
0x227: {  	[tilespmem:s26], [sflag:$0x1] =	stream.indirect_vreg.gather [hbm4b:s5+s3], $0x80, v3, vm0, $0xb8;
	[tilespmem:$0x18180] =	vst v63  }
0x228: {  	s20 =	simm.s32 $0x3980  }
0x229: {  	[tilespmem:s20], [sflag:$0x1] =	stream.indirect_vreg.gather [hbm4b:s6+s3], $0x80, v3, vm0, $0xb8;
	[tilespmem:$0x18180] =	vst v63  }
0x22a: {  	_ =	swait.ge [sflag:s18], $0x4000  }
0x22b: {  	[sflag:s18] =	ssyncset.done $0x0  }
0x22c: {  	s26 =	rddreg [dreg:$0x14];
	[sflag:s18] =	ssyncadd.s32 $0xFFFFC000  }
0x22d: {  	[hbm4b:s26+s3] =	stream.linear.scatter [tilespmem:s25], [sflag:$0x2], $0x4000, $0x38;
	[tilespmem:$0x18180] =	vst v63  }
0x22e: {  	_ =	swait.ge [sflag:s13], $0x4000  }
0x22f: {  	[sflag:s13] =	ssyncset.done $0x0  }
0x230: {  	[sflag:s13] =	ssyncadd.s32 $0xFFFFC000  }
0x231: {  	v3 =	vld [tilespmem:$0x130];
	_ =	sdelay $0x4  }
0x232: {  	v59 =	vshll.u32 v3, $0x3  }
0x233: {  	v3 =	vand.u32 $0x7, v3;
	v4 =	vand.u32 $0xFFFFFFC0, v59  }
0x234: {  	v3 =	vor.u32 v3, v4  }
0x235: {  	v4 =	vperm.xlane v3, v0;
	_ =	sdelay $0x1  }
0x236: {  	v4 =	vadd.s32 v1, v4;
	_ =	sdelay $0x4  }
0x237: {  	[tilespmem:s2], [sflag:$0x1] =	stream.indirect_vreg.gather [hbm4b:s1+s3], $0x80, v4, vm0, $0xb8;
	[tilespmem:$0x18180] =	vst v63  }
0x238: {  	s14 =	simm.s32 $0x4980;
	v3 =	vperm.xlane v3, v2  }
0x239: {  	[tilespmem:s14], [sflag:$0x1] =	stream.indirect_vreg.gather [hbm4b:s4+s3], $0x80, v4, vm0, $0xb8;
	[tilespmem:$0x18180] =	vst v63  }
0x23a: {  	s20 =	simm.s32 $0x5180;
	v3 =	vadd.s32 v1, v3  }
0x23b: {  	[tilespmem:s20], [sflag:$0x1] =	stream.indirect_vreg.gather [hbm4b:s5+s3], $0x80, v4, vm0, $0xb8;
	[tilespmem:$0x18180] =	vst v63  }
0x23c: {  	s14 =	simm.s32 $0x5980  }
0x23d: {  	[tilespmem:s14], [sflag:$0x1] =	stream.indirect_vreg.gather [hbm4b:s6+s3], $0x80, v4, vm0, $0xb8;
	[tilespmem:$0x18180] =	vst v63  }
0x23e: {  	s20 =	simm.s32 $0x6180  }
0x23f: {  	[tilespmem:s20], [sflag:$0x1] =	stream.indirect_vreg.gather [hbm4b:s1+s3], $0x80, v3, vm0, $0xb8;
	[tilespmem:$0x18180] =	vst v63  }
0x240: {  	s14 =	simm.s32 $0x6980  }
0x241: {  	[tilespmem:s14], [sflag:$0x1] =	stream.indirect_vreg.gather [hbm4b:s4+s3], $0x80, v3, vm0, $0xb8;
	[tilespmem:$0x18180] =	vst v63  }
0x242: {  	s20 =	simm.s32 $0x7180  }
0x243: {  	[tilespmem:s20], [sflag:$0x1] =	stream.indirect_vreg.gather [hbm4b:s5+s3], $0x80, v3, vm0, $0xb8;
	[tilespmem:$0x18180] =	vst v63  }
0x244: {  	s14 =	simm.s32 $0x7980  }
0x245: {  	[tilespmem:s14], [sflag:$0x1] =	stream.indirect_vreg.gather [hbm4b:s6+s3], $0x80, v3, vm0, $0xb8;
	[tilespmem:$0x18180] =	vst v63  }
0x246: {  	_ =	swait.ge [sflag:s18], $0x4000  }
0x247: {  	[sflag:s18] =	ssyncset.done $0x0  }
0x248: {  	s20 =	rddreg [dreg:$0x15];
	[sflag:s18] =	ssyncadd.s32 $0xFFFFC000  }
0x249: {  	[hbm4b:s20+s3] =	stream.linear.scatter [tilespmem:s29], [sflag:$0x2], $0x4000, $0x38;
	[tilespmem:$0x18180] =	vst v63  }
0x24a: {  	_ =	swait.ge [sflag:s13], $0x4000  }
0x24b: {  	[sflag:s13] =	ssyncset.done $0x0  }
0x24c: {  	[sflag:s13] =	ssyncadd.s32 $0xFFFFC000  }
0x24d: {  	v3 =	vld [tilespmem:$0x140];
	_ =	sdelay $0x4  }
0x24e: {  	v60 =	vshll.u32 v3, $0x3  }
0x24f: {  	v3 =	vand.u32 $0x7, v3;
	v4 =	vand.u32 $0xFFFFFFC0, v60  }
0x250: {  	v3 =	vor.u32 v3, v4  }
0x251: {  	v4 =	vperm.xlane v3, v0;
	_ =	sdelay $0x1  }
0x252: {  	v4 =	vadd.s32 v1, v4;
	_ =	sdelay $0x4  }
0x253: {  	[tilespmem:s0], [sflag:$0x1] =	stream.indirect_vreg.gather [hbm4b:s1+s3], $0x80, v4, vm0, $0xb8;
	[tilespmem:$0x18180] =	vst v63  }
0x254: {  	s2 =	simm.s32 $0x8980;
	v3 =	vperm.xlane v3, v2  }
0x255: {  	[tilespmem:s2], [sflag:$0x1] =	stream.indirect_vreg.gather [hbm4b:s4+s3], $0x80, v4, vm0, $0xb8;
	[tilespmem:$0x18180] =	vst v63  }
0x256: {  	s14 =	simm.s32 $0x9180;
	v3 =	vadd.s32 v1, v3  }
0x257: {  	[tilespmem:s14], [sflag:$0x1] =	stream.indirect_vreg.gather [hbm4b:s5+s3], $0x80, v4, vm0, $0xb8;
	[tilespmem:$0x18180] =	vst v63  }
0x258: {  	s23 =	simm.s32 $0x9980  }
0x259: {  	[tilespmem:s23], [sflag:$0x1] =	stream.indirect_vreg.gather [hbm4b:s6+s3], $0x80, v4, vm0, $0xb8;
	[tilespmem:$0x18180] =	vst v63  }
0x25a: {  	s24 =	simm.s32 $0xA180  }
0x25b: {  	[tilespmem:s24], [sflag:$0x1] =	stream.indirect_vreg.gather [hbm4b:s1+s3], $0x80, v3, vm0, $0xb8;
	[tilespmem:$0x18180] =	vst v63  }
0x25c: {  	s2 =	simm.s32 $0xA980  }
0x25d: {  	[tilespmem:s2], [sflag:$0x1] =	stream.indirect_vreg.gather [hbm4b:s4+s3], $0x80, v3, vm0, $0xb8;
	[tilespmem:$0x18180] =	vst v63  }
0x25e: {  	s11 =	simm.s32 $0xB180  }
0x25f: {  	[tilespmem:s11], [sflag:$0x1] =	stream.indirect_vreg.gather [hbm4b:s5+s3], $0x80, v3, vm0, $0xb8;
	[tilespmem:$0x18180] =	vst v63  }
0x260: {  	s12 =	simm.s32 $0xB980  }
0x261: {  	[tilespmem:s12], [sflag:$0x1] =	stream.indirect_vreg.gather [hbm4b:s6+s3], $0x80, v3, vm0, $0xb8;
	[tilespmem:$0x18180] =	vst v63  }
0x262: {  	_ =	swait.ge [sflag:s18], $0x4000  }
0x263: {  	[sflag:s18] =	ssyncset.done $0x0  }
0x264: {  	s11 =	rddreg [dreg:$0x16];
	[sflag:s18] =	ssyncadd.s32 $0xFFFFC000  }
0x265: {  	[hbm4b:s11+s3] =	stream.linear.scatter [tilespmem:s8], [sflag:$0x2], $0x4000, $0x38;
	[tilespmem:$0x18180] =	vst v63  }
0x266: {  	_ =	swait.ge [sflag:s13], $0x4000  }
0x267: {  	[sflag:s13] =	ssyncset.done $0x0  }
0x268: {  	[sflag:s13] =	ssyncadd.s32 $0xFFFFC000  }
0x269: {  	v3 =	vld [tilespmem:$0x150];
	_ =	sdelay $0x4  }
0x26a: {  	v61 =	vshll.u32 v3, $0x3  }
0x26b: {  	v3 =	vand.u32 $0x7, v3;
	v4 =	vand.u32 $0xFFFFFFC0, v61  }
0x26c: {  	v3 =	vor.u32 v3, v4  }
0x26d: {  	v4 =	vperm.xlane v3, v0;
	_ =	sdelay $0x1  }
0x26e: {  	v4 =	vadd.s32 v1, v4;
	_ =	sdelay $0x4  }
0x26f: {  	[tilespmem:s25], [sflag:$0x1] =	stream.indirect_vreg.gather [hbm4b:s1+s3], $0x80, v4, vm0, $0xb8;
	[tilespmem:$0x18180] =	vst v63  }
0x270: {  	s12 =	simm.s32 $0xC980;
	v3 =	vperm.xlane v3, v2  }
0x271: {  	[tilespmem:s12], [sflag:$0x1] =	stream.indirect_vreg.gather [hbm4b:s4+s3], $0x80, v4, vm0, $0xb8;
	[tilespmem:$0x18180] =	vst v63  }
0x272: {  	s14 =	simm.s32 $0xD180;
	v3 =	vadd.s32 v1, v3  }
0x273: {  	[tilespmem:s14], [sflag:$0x1] =	stream.indirect_vreg.gather [hbm4b:s5+s3], $0x80, v4, vm0, $0xb8;
	[tilespmem:$0x18180] =	vst v63  }
0x274: {  	s23 =	simm.s32 $0xD980  }
0x275: {  	[tilespmem:s23], [sflag:$0x1] =	stream.indirect_vreg.gather [hbm4b:s6+s3], $0x80, v4, vm0, $0xb8;
	[tilespmem:$0x18180] =	vst v63  }
0x276: {  	s24 =	simm.s32 $0xE180  }
0x277: {  	[tilespmem:s24], [sflag:$0x1] =	stream.indirect_vreg.gather [hbm4b:s1+s3], $0x80, v3, vm0, $0xb8;
	[tilespmem:$0x18180] =	vst v63  }
0x278: {  	s2 =	simm.s32 $0xE980  }
0x279: {  	[tilespmem:s2], [sflag:$0x1] =	stream.indirect_vreg.gather [hbm4b:s4+s3], $0x80, v3, vm0, $0xb8;
	[tilespmem:$0x18180] =	vst v63  }
0x27a: {  	s11 =	simm.s32 $0xF180  }
0x27b: {  	[tilespmem:s11], [sflag:$0x1] =	stream.indirect_vreg.gather [hbm4b:s5+s3], $0x80, v3, vm0, $0xb8;
	[tilespmem:$0x18180] =	vst v63  }
0x27c: {  	s21 =	simm.s32 $0xF980  }
0x27d: {  	[tilespmem:s21], [sflag:$0x1] =	stream.indirect_vreg.gather [hbm4b:s6+s3], $0x80, v3, vm0, $0xb8;
	[tilespmem:$0x18180] =	vst v63  }
0x27e: {  	_ =	swait.ge [sflag:s18], $0x4000  }
0x27f: {  	[sflag:s18] =	ssyncset.done $0x0  }
0x280: {  	s12 =	rddreg [dreg:$0x17];
	[sflag:s18] =	ssyncadd.s32 $0xFFFFC000  }
0x281: {  	[hbm4b:s12+s3] =	stream.linear.scatter [tilespmem:s19], [sflag:$0x2], $0x4000, $0x38;
	[tilespmem:$0x18180] =	vst v63  }
0x282: {  	_ =	swait.ge [sflag:s13], $0x4000  }
0x283: {  	[sflag:s13] =	ssyncset.done $0x0  }
0x284: {  	[sflag:s13] =	ssyncadd.s32 $0xFFFFC000  }
0x285: {  	v3 =	vld [tilespmem:$0x160];
	_ =	sdelay $0x4  }
0x286: {  	v62 =	vshll.u32 v3, $0x3  }
0x287: {  	v3 =	vand.u32 $0x7, v3;
	v4 =	vand.u32 $0xFFFFFFC0, v62  }
0x288: {  	v3 =	vor.u32 v3, v4  }
0x289: {  	v4 =	vperm.xlane v3, v0;
	_ =	sdelay $0x1  }
0x28a: {  	v4 =	vadd.s32 v1, v4;
	_ =	sdelay $0x4  }
0x28b: {  	[tilespmem:s29], [sflag:$0x1] =	stream.indirect_vreg.gather [hbm4b:s1+s3], $0x80, v4, vm0, $0xb8;
	[tilespmem:$0x18180] =	vst v63  }
0x28c: {  	s14 =	simm.s32 $0x10980;
	v3 =	vperm.xlane v3, v2  }
0x28d: {  	[tilespmem:s14], [sflag:$0x1] =	stream.indirect_vreg.gather [hbm4b:s4+s3], $0x80, v4, vm0, $0xb8;
	[tilespmem:$0x18180] =	vst v63  }
0x28e: {  	s10 =	simm.s32 $0x11180;
	v3 =	vadd.s32 v1, v3  }
0x28f: {  	[tilespmem:s10], [sflag:$0x1] =	stream.indirect_vreg.gather [hbm4b:s5+s3], $0x80, v4, vm0, $0xb8;
	[tilespmem:$0x18180] =	vst v63  }
0x290: {  	s17 =	simm.s32 $0x11980  }
0x291: {  	[tilespmem:s17], [sflag:$0x1] =	stream.indirect_vreg.gather [hbm4b:s6+s3], $0x80, v4, vm0, $0xb8;
	[tilespmem:$0x18180] =	vst v63  }
0x292: {  	s28 =	simm.s32 $0x12180  }
0x293: {  	[tilespmem:s28], [sflag:$0x1] =	stream.indirect_vreg.gather [hbm4b:s1+s3], $0x80, v3, vm0, $0xb8;
	[tilespmem:$0x18180] =	vst v63  }
0x294: {  	s15 =	simm.s32 $0x12980  }
0x295: {  	[tilespmem:s15], [sflag:$0x1] =	stream.indirect_vreg.gather [hbm4b:s4+s3], $0x80, v3, vm0, $0xb8;
	[tilespmem:$0x18180] =	vst v63  }
0x296: {  	s16 =	simm.s32 $0x13180  }
0x297: {  	[tilespmem:s16], [sflag:$0x1] =	stream.indirect_vreg.gather [hbm4b:s5+s3], $0x80, v3, vm0, $0xb8;
	[tilespmem:$0x18180] =	vst v63  }
0x298: {  	_ = 	snop  }
0x299: {  	[tilespmem:s9], [sflag:$0x1] =	stream.indirect_vreg.gather [hbm4b:s6+s3], $0x80, v3, vm0, $0xb8;
	[tilespmem:$0x18180] =	vst v63  }
0x29a: {  	_ =	swait.ge [sflag:s18], $0x4000  }
0x29b: {  	[sflag:s18] =	ssyncset.done $0x0  }
0x29c: {  	s26 =	simm.s32 $0x4180;
	s17 =	rddreg [dreg:$0x18];
	[sflag:s18] =	ssyncadd.s32 $0xFFFFC000  }
0x29d: {  	[hbm4b:s17+s3] =	stream.linear.scatter [tilespmem:s26], [sflag:$0x2], $0x4000, $0x38;
	[tilespmem:$0x18180] =	vst v63  }
0x29e: {  	_ =	swait.ge [sflag:s13], $0x4000  }
0x29f: {  	[sflag:s13] =	ssyncset.done $0x0  }
0x2a0: {  	[sflag:s13] =	ssyncadd.s32 $0xFFFFC000  }
0x2a1: {  	v3 =	vld [tilespmem:$0x170];
	_ =	sdelay $0x4  }
0x2a2: {  	v63 =	vshll.u32 v3, $0x3  }
0x2a3: {  	v3 =	vand.u32 $0x7, v3;
	v4 =	vand.u32 $0xFFFFFFC0, v63  }
0x2a4: {  	v3 =	vor.u32 v3, v4  }
0x2a5: {  	v4 =	vperm.xlane v3, v0;
	_ =	sdelay $0x1  }
0x2a6: {  	v4 =	vadd.s32 v1, v4;
	_ =	sdelay $0x4  }
0x2a7: {  	[tilespmem:s8], [sflag:$0x1] =	stream.indirect_vreg.gather [hbm4b:s1+s3], $0x80, v4, vm0, $0xb8;
	[tilespmem:$0x18180] =	vst v63  }
0x2a8: {  	s21 =	simm.s32 $0x14980;
	v3 =	vperm.xlane v3, v2  }
0x2a9: {  	[tilespmem:s21], [sflag:$0x1] =	stream.indirect_vreg.gather [hbm4b:s4+s3], $0x80, v4, vm0, $0xb8;
	[tilespmem:$0x18180] =	vst v63  }
0x2aa: {  	s22 =	simm.s32 $0x15180;
	v3 =	vadd.s32 v1, v3  }
0x2ab: {  	[tilespmem:s22], [sflag:$0x1] =	stream.indirect_vreg.gather [hbm4b:s5+s3], $0x80, v4, vm0, $0xb8;
	[tilespmem:$0x18180] =	vst v63  }
0x2ac: {  	s30 =	simm.s32 $0x15980  }
0x2ad: {  	[tilespmem:s30], [sflag:$0x1] =	stream.indirect_vreg.gather [hbm4b:s6+s3], $0x80, v4, vm0, $0xb8;
	[tilespmem:$0x18180] =	vst v63  }
0x2ae: {  	s31 =	simm.s32 $0x16180  }
0x2af: {  	[tilespmem:s31], [sflag:$0x1] =	stream.indirect_vreg.gather [hbm4b:s1+s3], $0x80, v3, vm0, $0xb8;
	[tilespmem:$0x18180] =	vst v63  }
0x2b0: {  	s22 =	simm.s32 $0x16980  }
0x2b1: {  	[tilespmem:s22], [sflag:$0x1] =	stream.indirect_vreg.gather [hbm4b:s4+s3], $0x80, v3, vm0, $0xb8;
	[tilespmem:$0x18180] =	vst v63  }
0x2b2: {  	s23 =	simm.s32 $0x17180  }
0x2b3: {  	[tilespmem:s23], [sflag:$0x1] =	stream.indirect_vreg.gather [hbm4b:s5+s3], $0x80, v3, vm0, $0xb8;
	[tilespmem:$0x18180] =	vst v63  }
0x2b4: {  	s24 =	simm.s32 $0x17980  }
0x2b5: {  	[tilespmem:s24], [sflag:$0x1] =	stream.indirect_vreg.gather [hbm4b:s6+s3], $0x80, v3, vm0, $0xb8;
	[tilespmem:$0x18180] =	vst v63  }
0x2b6: {  	_ =	swait.ge [sflag:s18], $0x4000  }
0x2b7: {  	[sflag:s18] =	ssyncset.done $0x0  }
0x2b8: {  	s20 =	simm.s32 $0x8180;
	s26 =	rddreg [dreg:$0x19];
	[sflag:s18] =	ssyncadd.s32 $0xFFFFC000  }
0x2b9: {  	[hbm4b:s26+s3] =	stream.linear.scatter [tilespmem:s20], [sflag:$0x2], $0x4000, $0x38;
	[tilespmem:$0x18180] =	vst v63  }
0x2ba: {  	_ =	swait.ge [sflag:s18], $0x4000  }
0x2bb: {  	[sflag:s18] =	ssyncset.done $0x0  }
0x2bc: {  	s28 =	rddreg [dreg:$0x1a];
	[sflag:s18] =	ssyncadd.s32 $0xFFFFC000  }
0x2bd: {  	[hbm4b:s28+s3] =	stream.linear.scatter [tilespmem:s25], [sflag:$0x2], $0x4000, $0x38;
	[tilespmem:$0x18180] =	vst v63  }
0x2be: {  	_ =	swait.ge [sflag:s18], $0x4000  }
0x2bf: {  	[sflag:s18] =	ssyncset.done $0x0  }
0x2c0: {  	s30 =	rddreg [dreg:$0x1b];
	[sflag:s18] =	ssyncadd.s32 $0xFFFFC000  }
0x2c1: {  	[hbm4b:s30+s3] =	stream.linear.scatter [tilespmem:s29], [sflag:$0x2], $0x4000, $0x38;
	[tilespmem:$0x18180] =	vst v63  }
0x2c2: {  	_ =	swait.ge [sflag:s18], $0x4000  }
0x2c3: {  	[sflag:s18] =	ssyncset.done $0x0  }
0x2c4: {  	s31 =	rddreg [dreg:$0x1c];
	[sflag:s18] =	ssyncadd.s32 $0xFFFFC000  }
0x2c5: {  	[hbm4b:s31+s3] =	stream.linear.scatter [tilespmem:s8], [sflag:$0x2], $0x4000, $0x38;
	[tilespmem:$0x18180] =	vst v63  }
0x2c6: {  	_ =	swait.ge [sflag:s13], $0x4000  }
0x2c7: {  	[sflag:s13] =	ssyncset.done $0x0  }
0x2c8: {  	[sflag:s13] =	ssyncadd.s32 $0xFFFFC000  }
0x2c9: {  	_ =	swait.ge [sflag:s13], $0x4000  }
0x2ca: {  	[sflag:s13] =	ssyncset.done $0x0  }
0x2cb: {  	[sflag:s13] =	ssyncadd.s32 $0xFFFFC000  }
0x2cc: {  	_ =	swait.ge [sflag:s13], $0x4000  }
0x2cd: {  	[sflag:s13] =	ssyncset.done $0x0  }
0x2ce: {  	[sflag:s13] =	ssyncadd.s32 $0xFFFFC000  }
0x2cf: {  	_ =	swait.ge [sflag:s13], $0x4000  }
0x2d0: {  	[sflag:s13] =	ssyncset.done $0x0  }
0x2d1: {  	[sflag:s13] =	ssyncadd.s32 $0xFFFFC000  }
0x2d2: {  	p0 =	sne.s32 s7, $0x1;
	_ =	swait.ge [sflag:s13], $0x4000  }
.Ltmp0:
0x2d3: {  	[sflag:s13] =	ssyncset.done $0x0;
	(pc) =	sbr.rel @p0 .LBB2_1-.Ltmp0, $4  }
0x2d4: {  	[sflag:s13] =	ssyncadd.s32 $0xFFFFC000  }
0x2d5: {  	_ =	swait.ge [sflag:s13], $0x4000  }
0x2d6: {  	[sflag:s13] =	ssyncset.done $0x0  }
0x2d7: {  	s7 =	sadd.s32 $0xFFFFFFFF, s7;
	[sflag:s13] =	ssyncadd.s32 $0xFFFFC000  }
0x2d8: {  	_ =	sfence.sel $0x180000  }
0x2d9: {  	[bflag:$0x0] =	sbarrier.arrive $0xFFFF  }
0x2da: {  	_ =	strace $0x9000004A  }
0x2db: {  	s0 =	stileid.u32;
	[bflag:$0x2] =	sbarrier.arrive $0xFFFF  }
0x2dc: {  	p0 =	sne.s32 s0, $0x0;
	s0 =	rddreg [dreg:$0x3]  }
0x2dd: {  	s0 =	sadd.s32 @!p0 $0x100000, s0  }
0x2de: {  	[sflag:s0] =	ssyncadd.tile.s32 @!p0 $0x1;
	_ =	shalt  }
.Lfunc_end2:
_tile_overlayer_lowered:
.L_overlay_start_2:
0x2df: {  	(tag) =	ssettag $0x2  }
0x2e0: {  	s0 =	rddreg [dreg:$0x0];
	s2 =	stileid.u32  }
0x2e1: {  	s1 =	rddreg [dreg:$0x1];
	p0 =	sne.s32 s2, $0x0  }
0x2e2: {  	s3 =	rddreg [dreg:$0x2];
	[bflag:$0x3] =	sbarrier.arrive $0xFFFF;
	s2 =	simm.s32 @!p0 $0x1C03  }
0x2e3: {  	[timem:s3], [sflag:s2] =	dma.local @!p0 [hbm:s0], s1  }
0x2e4: {  	s0 =	simm.s32 @!p0 $0x3  }
0x2e5: {  	_ =	swait.ge @!p0 [sflag:s0], s1  }
0x2e6: {  	s1 =	ssub.s32 @!p0 $0x0, s1;
	[sflag:s0] =	ssyncset.done @!p0 $0x0  }
0x2e7: {  	[sflag:s0] =	ssyncadd.s32 @!p0 s1  }
0x2e8: {  	[bflag:$0x3] =	sbarrier.arrive $0xFFFF  }
0x2e9: {  	_ =	shalt  }

</sc_bundles>
